<compile_context>
chip_gen: v7x
topology: tpu7x:2x2x1
jax: 0.10.2.dev20260603
libtpu: 0.0.44.dev20260713+nightly
codegen_flags: <defaults>
</compile_context>

<pallas_src>
import functools
import math

import jax
import jax.numpy as jnp
from jax import lax
from jax.experimental import pallas as pl
from jax.experimental.pallas import tpu as pltpu
from jax.experimental.pallas import tpu_sc as plsc

T, D, E, H = 2048, 768, 8, 3072
BT = 256
BH = 1536
NH = H // BH
CAP = T + E * BT
NB = CAP // BT

_NC = 2
_NS = 16
_NW = _NC * _NS


_RC = 256


def _gating_body(x_ref, wg_ref, bg_ref, pos_ref, be_ref):
    logits = jnp.dot(x_ref[...], wg_ref[...], preferred_element_type=jnp.float32)
    logits = logits + bg_ref[...]
    m = jnp.max(logits, axis=1, keepdims=True)
    lane = lax.broadcasted_iota(jnp.int32, logits.shape, 1)
    cand = jnp.where(logits == m, lane, jnp.int32(2**30))
    top1 = jnp.min(cand, axis=1, keepdims=True)
    onehot = (lane == top1).astype(jnp.float32)

    col = lax.broadcasted_iota(jnp.int32, (_RC, T), 1)
    cum_chunks = []
    for k in range(T // _RC):
        row = lax.broadcasted_iota(jnp.int32, (_RC, T), 0) + (k * _RC)
        l_blk = jnp.where(col <= row, 1.0, 0.0)
        cum_chunks.append(jnp.dot(l_blk, onehot,
                                  preferred_element_type=jnp.float32))
    cum = jnp.concatenate(cum_chunks, axis=0)
    rank = jnp.sum(onehot * (cum - 1.0), axis=1, keepdims=True)

    counts = cum[T - 1:T, :]
    padded = jnp.floor((counts + (BT - 1)) / BT) * BT
    er = lax.broadcasted_iota(jnp.int32, (E, E), 0)
    ec = lax.broadcasted_iota(jnp.int32, (E, E), 1)
    strict = jnp.where(er < ec, 1.0, 0.0)
    pstart = jnp.dot(padded, strict, preferred_element_type=jnp.float32)
    pend = pstart + padded

    pos = jnp.sum(onehot * pstart, axis=1, keepdims=True) + rank
    pos_ref[...] = pos.astype(jnp.int32)

    kbt = (lax.broadcasted_iota(jnp.int32, (NB, E), 0) * BT).astype(jnp.float32)
    be = jnp.sum(jnp.where(jnp.broadcast_to(pend, (NB, E)) <= kbt, 1, 0),
                 axis=1, keepdims=True)
    be_ref[...] = jnp.minimum(be, E - 1).astype(jnp.int32)


def _gating_route(x2, Wg, bg):
    return pl.pallas_call(
        _gating_body,
        out_shape=(jax.ShapeDtypeStruct((T, 1), jnp.int32),
                   jax.ShapeDtypeStruct((NB, 1), jnp.int32)),
    )(x2, Wg, bg.reshape(1, E))


def _sc_dispatch(x2, pos):
    n_per_w = T // _NW
    mesh = plsc.VectorSubcoreMesh(core_axis_name="c", subcore_axis_name="s")

    @functools.partial(
        pl.kernel,
        out_type=jax.ShapeDtypeStruct((CAP, D), jnp.float32),
        mesh=mesh,
        scratch_types=[
            pltpu.VMEM((n_per_w,), jnp.int32),
            pltpu.VMEM((n_per_w, D), jnp.float32),
            pltpu.SemaphoreType.DMA,
        ],
    )
    def scatter_kernel(x_hbm, pos_hbm, out_hbm, idx_v, rows_v, sem):
        wid = lax.axis_index("s") * _NC + lax.axis_index("c")
        base = wid * n_per_w
        pltpu.sync_copy(pos_hbm.at[pl.ds(base, n_per_w)], idx_v)
        pltpu.sync_copy(x_hbm.at[pl.ds(base, n_per_w)], rows_v)
        pltpu.async_copy(rows_v, out_hbm.at[idx_v], sem).wait()

    return scatter_kernel(x2, pos)


def _sc_row_gather(table, idx, n_out):
    n_per_w = n_out // _NW
    mesh = plsc.VectorSubcoreMesh(core_axis_name="c", subcore_axis_name="s")

    @functools.partial(
        pl.kernel,
        out_type=jax.ShapeDtypeStruct((n_out, D), jnp.float32),
        mesh=mesh,
        scratch_types=[
            pltpu.VMEM((n_per_w,), jnp.int32),
            pltpu.VMEM((n_per_w, D), jnp.float32),
            pltpu.SemaphoreType.DMA,
        ],
    )
    def gather_kernel(table_hbm, idx_hbm, out_hbm, idx_v, rows_v, sem):
        wid = lax.axis_index("s") * _NC + lax.axis_index("c")
        base = wid * n_per_w
        pltpu.sync_copy(idx_hbm.at[pl.ds(base, n_per_w)], idx_v)
        pltpu.async_copy(table_hbm.at[idx_v], rows_v, sem).wait()
        pltpu.sync_copy(rows_v, out_hbm.at[pl.ds(base, n_per_w)])

    return gather_kernel(table, idx)


def _mlp_body(be_ref, xs_ref, w1_ref, b1_ref, w2_ref, b2_ref, ys_ref):
    j = pl.program_id(0)
    b = pl.program_id(1)
    rows = pl.ds(b * BT, BT)
    x_blk = xs_ref[rows, :]
    h = jnp.dot(x_blk, w1_ref[0], preferred_element_type=jnp.float32)
    h = h + b1_ref[0]
    h = 0.5 * h * (1.0 + lax.erf(h * (1.0 / math.sqrt(2.0))))
    contrib = jnp.dot(h, w2_ref[0], preferred_element_type=jnp.float32)

    @pl.when(j == 0)
    def _():
        ys_ref[rows, :] = contrib + b2_ref[0]

    @pl.when(j > 0)
    def _():
        ys_ref[rows, :] += contrib


def _grouped_mlp(xs, W1, b1, W2, b2, block_expert):
    grid_spec = pltpu.PrefetchScalarGridSpec(
        num_scalar_prefetch=1,
        grid=(NH, NB),
        in_specs=[
            pl.BlockSpec((CAP, D), lambda j, b, be: (0, 0)),
            pl.BlockSpec((1, D, BH), lambda j, b, be: (be[b], 0, j)),
            pl.BlockSpec((1, 1, BH), lambda j, b, be: (be[b], 0, j)),
            pl.BlockSpec((1, BH, D), lambda j, b, be: (be[b], j, 0)),
            pl.BlockSpec((1, 1, D), lambda j, b, be: (be[b], 0, 0)),
        ],
        out_specs=pl.BlockSpec((CAP, D), lambda j, b, be: (0, 0)),
    )
    return pl.pallas_call(
        _mlp_body,
        grid_spec=grid_spec,
        out_shape=jax.ShapeDtypeStruct((CAP, D), jnp.float32),
        compiler_params=pltpu.CompilerParams(
            dimension_semantics=("arbitrary", "arbitrary")),
    )(block_expert, xs, W1, b1.reshape(E, 1, H), W2, b2.reshape(E, 1, D))


def kernel(x, Wg, bg, W1, b1, W2, b2):
    b, s, d = x.shape
    x2 = x.reshape(T, D)
    pos, block_expert = _gating_route(x2, Wg, bg)
    pos = pos.reshape(T)
    xs = _sc_dispatch(x2, pos)
    ys = _grouped_mlp(xs, W1, b1, W2, b2, block_expert.reshape(NB))
    out = _sc_row_gather(ys, pos, T)
    return out.reshape(b, s, d)

# --- scband reference (transcript-rebuilt; emitter-appended) ---
"""Pipeline reference for scband-mixture-of-experts-15693810499844 (READ-ONLY COPY).

The authoritative reference and input builder live on the scoring server;
editing this copy changes nothing except your own understanding.
"""

import jax, jax.numpy as jnp
import numpy as np

B, S, D, E, H = 1, 2048, 768, 8, 3072

def setup_inputs(seed: int = 0) -> dict:
    key = jax.random.key(seed)
    ks = jax.random.split(key, 7)
    x = jax.random.normal(ks[0], (B, S, D), dtype=jnp.float32)
    Wg = jax.random.normal(ks[1], (D, E), dtype=jnp.float32) * 0.02
    bg = jnp.zeros((E,), dtype=jnp.float32)
    W1 = jax.random.normal(ks[2], (E, D, H), dtype=jnp.float32) * 0.02
    b1 = jnp.zeros((E, H), dtype=jnp.float32)
    W2 = jax.random.normal(ks[3], (E, H, D), dtype=jnp.float32) * 0.02
    b2 = jnp.zeros((E, D), dtype=jnp.float32)
    return {"x": x, "Wg": Wg, "bg": bg, "W1": W1, "b1": b1, "W2": W2, "b2": b2}

def reference(x, Wg, bg, W1, b1, W2, b2):
    b, s, d = x.shape
    xf = x.reshape(-1, d)
    logits = xf @ Wg + bg
    gates = jax.nn.softmax(logits, axis=-1)
    _, idx = jax.lax.top_k(gates, 2)
    top1 = idx[:, 0]
    # expert MLP: Linear(D,4D) -> GELU (exact, erf) -> Linear(4D,D)
    h = jax.nn.gelu(jnp.einsum('td,edh->eth', xf, W1) + b1[:, None, :], approximate=False)
    o = jnp.einsum('eth,ehd->etd', h, W2) + b2[:, None, :]
    # tokens are routed by their top-1 expert only (matches torch: indices[:,0]);
    # output is the raw expert output, NOT scaled by gate prob (faithful to torch code)
    onehot = jax.nn.one_hot(top1, W1.shape[0], dtype=xf.dtype)
    out = jnp.einsum('te,etd->td', onehot, o)
    return out.reshape(b, s, d)

if __name__ == "__main__":
    import jax
    _d = setup_inputs()
    print(jax.jit(kernel)(*tuple(_d.values())))

</pallas_src>

<mosaic_0001>
#map = affine_map<(d0, d1) -> (0, 0)>
#map1 = affine_map<(d0, d1) -> (0)>
module attributes {stable_mosaic.version = 14 : i64} {
  func.func @gather_kernel(%arg0: i32, %arg1: i32, %arg2: memref<4096x768xf32, #tpu.memory_space<hbm>>, %arg3: memref<2048xi32, #tpu.memory_space<hbm>>, %arg4: memref<2048x768xf32, #tpu.memory_space<hbm>>, %arg5: memref<64xi32, #tpu.memory_space<vmem>>, %arg6: memref<64x768xf32, #tpu.memory_space<vmem>>, %arg7: memref<!tpu.dma_semaphore, #tpu.memory_space<semaphore_mem>>) attributes {dimension_semantics = [#tpu.dimension_semantics<core_parallel>, #tpu.dimension_semantics<subcore_parallel>], iteration_bounds = array<i64: 2, 16>, scalar_prefetch = 0 : i64, scratch_operands = 3 : i64, tpu.core_type = #tpu.core_type<sc_vector_subcore>, window_params = [{transform_indices = #map}, {transform_indices = #map1}, {transform_indices = #map}]} {
    %mul3A = arith.constant 2 : i32
    %mul3A_0 = arith.muli %arg1, %mul3A : i32
    %add3A = arith.addi %mul3A_0, %arg0 : i32
    %mul3A_1 = arith.constant 64 : i32
    %mul3A_2 = arith.muli %add3A, %mul3A_1 : i32
    "tpu.region"() ({
      %run_scoped3A = tpu.sem_alloc : memref<!tpu.dma_semaphore, #tpu.memory_space<semaphore_mem>>
      %dma_start3A_7 = tpu.memref_slice %arg3[%mul3A_2] : memref<2048xi32, #tpu.memory_space<hbm>> -> memref<64xi32, #tpu.memory_space<hbm>>
      %dma_start3A_8 = tpu.memref_slice %arg3[%mul3A_2] : memref<2048xi32, #tpu.memory_space<hbm>> -> memref<64xi32, #tpu.memory_space<hbm>>
      tpu.enqueue_dma source(%dma_start3A_8 : memref<64xi32, #tpu.memory_space<hbm>>) target(%arg5 : memref<64xi32, #tpu.memory_space<vmem>>) target_semaphore(%run_scoped3A : memref<!tpu.dma_semaphore, #tpu.memory_space<semaphore_mem>>)
      %dma_wait3A_9 = tpu.memref_slice %arg3[%mul3A_2] : memref<2048xi32, #tpu.memory_space<hbm>> -> memref<64xi32, #tpu.memory_space<hbm>>
      %dma_wait3A_10 = tpu.memref_slice %arg3[%mul3A_2] : memref<2048xi32, #tpu.memory_space<hbm>> -> memref<64xi32, #tpu.memory_space<hbm>>
      tpu.wait_dma2 semaphore(%run_scoped3A : memref<!tpu.dma_semaphore, #tpu.memory_space<semaphore_mem>>) src(%dma_wait3A_10 : memref<64xi32, #tpu.memory_space<hbm>>) dst(%arg5 : memref<64xi32, #tpu.memory_space<vmem>>)
      tpu.yield
    }) : () -> ()
    %dma_start3A = arith.constant 0 : i32
    %dma_start3A_3 = arith.constant 0 : i32
    %dma_start3A_4 = tpu.memref_slice %arg2[%dma_start3A, %dma_start3A_3] : memref<4096x768xf32, #tpu.memory_space<hbm>> -> memref<4096x768xf32, #tpu.memory_space<hbm>>
    tpu.enqueue_indirect_dma source(%dma_start3A_4 : memref<4096x768xf32, #tpu.memory_space<hbm>>) target(%arg6 : memref<64x768xf32, #tpu.memory_space<vmem>>) offsets(%arg5 : memref<64xi32, #tpu.memory_space<vmem>>) semaphore(%arg7 : memref<!tpu.dma_semaphore, #tpu.memory_space<semaphore_mem>>)
    %dma_wait3A = arith.constant 0 : i32
    %dma_wait3A_5 = arith.constant 0 : i32
    %dma_wait3A_6 = tpu.memref_slice %arg2[%dma_wait3A, %dma_wait3A_5] : memref<4096x768xf32, #tpu.memory_space<hbm>> -> memref<4096x768xf32, #tpu.memory_space<hbm>>
    tpu.wait_indirect_dma semaphore(%arg7 : memref<!tpu.dma_semaphore, #tpu.memory_space<semaphore_mem>>) src(%dma_wait3A_6 : memref<4096x768xf32, #tpu.memory_space<hbm>>) dst(%arg6 : memref<64x768xf32, #tpu.memory_space<vmem>>)
    "tpu.region"() ({
      %run_scoped3A = tpu.sem_alloc : memref<!tpu.dma_semaphore, #tpu.memory_space<semaphore_mem>>
      %dma_start3A_7 = arith.constant 0 : i32
      %dma_start3A_8 = tpu.memref_slice %arg4[%mul3A_2, %dma_start3A_7] : memref<2048x768xf32, #tpu.memory_space<hbm>> -> memref<64x768xf32, #tpu.memory_space<hbm>>
      %dma_start3A_9 = arith.constant 0 : i32
      %dma_start3A_10 = tpu.memref_slice %arg4[%mul3A_2, %dma_start3A_9] : memref<2048x768xf32, #tpu.memory_space<hbm>> -> memref<64x768xf32, #tpu.memory_space<hbm>>
      tpu.enqueue_dma source(%arg6 : memref<64x768xf32, #tpu.memory_space<vmem>>) target(%dma_start3A_10 : memref<64x768xf32, #tpu.memory_space<hbm>>) target_semaphore(%run_scoped3A : memref<!tpu.dma_semaphore, #tpu.memory_space<semaphore_mem>>)
      %dma_wait3A_11 = arith.constant 0 : i32
      %dma_wait3A_12 = tpu.memref_slice %arg4[%mul3A_2, %dma_wait3A_11] : memref<2048x768xf32, #tpu.memory_space<hbm>> -> memref<64x768xf32, #tpu.memory_space<hbm>>
      %dma_wait3A_13 = arith.constant 0 : i32
      %dma_wait3A_14 = tpu.memref_slice %arg4[%mul3A_2, %dma_wait3A_13] : memref<2048x768xf32, #tpu.memory_space<hbm>> -> memref<64x768xf32, #tpu.memory_space<hbm>>
      tpu.wait_dma2 semaphore(%run_scoped3A : memref<!tpu.dma_semaphore, #tpu.memory_space<semaphore_mem>>) src(%arg6 : memref<64x768xf32, #tpu.memory_space<vmem>>) dst(%dma_wait3A_14 : memref<64x768xf32, #tpu.memory_space<hbm>>)
      tpu.yield
    }) : () -> ()
    return
  }
}

#map = affine_map<(d0, d1) -> (0, 0)>
#map1 = affine_map<(d0, d1) -> (0)>
module attributes {stable_mosaic.version = 14 : i64} {
  func.func @scatter_kernel(%arg0: i32, %arg1: i32, %arg2: memref<2048x768xf32, #tpu.memory_space<hbm>>, %arg3: memref<2048xi32, #tpu.memory_space<hbm>>, %arg4: memref<4096x768xf32, #tpu.memory_space<hbm>>, %arg5: memref<64xi32, #tpu.memory_space<vmem>>, %arg6: memref<64x768xf32, #tpu.memory_space<vmem>>, %arg7: memref<!tpu.dma_semaphore, #tpu.memory_space<semaphore_mem>>) attributes {dimension_semantics = [#tpu.dimension_semantics<core_parallel>, #tpu.dimension_semantics<subcore_parallel>], iteration_bounds = array<i64: 2, 16>, scalar_prefetch = 0 : i64, scratch_operands = 3 : i64, tpu.core_type = #tpu.core_type<sc_vector_subcore>, window_params = [{transform_indices = #map}, {transform_indices = #map1}, {transform_indices = #map}]} {
    %mul3A = arith.constant 2 : i32
    %mul3A_0 = arith.muli %arg1, %mul3A : i32
    %add3A = arith.addi %mul3A_0, %arg0 : i32
    %mul3A_1 = arith.constant 64 : i32
    %mul3A_2 = arith.muli %add3A, %mul3A_1 : i32
    "tpu.region"() ({
      %run_scoped3A = tpu.sem_alloc : memref<!tpu.dma_semaphore, #tpu.memory_space<semaphore_mem>>
      %dma_start3A_7 = tpu.memref_slice %arg3[%mul3A_2] : memref<2048xi32, #tpu.memory_space<hbm>> -> memref<64xi32, #tpu.memory_space<hbm>>
      %dma_start3A_8 = tpu.memref_slice %arg3[%mul3A_2] : memref<2048xi32, #tpu.memory_space<hbm>> -> memref<64xi32, #tpu.memory_space<hbm>>
      tpu.enqueue_dma source(%dma_start3A_8 : memref<64xi32, #tpu.memory_space<hbm>>) target(%arg5 : memref<64xi32, #tpu.memory_space<vmem>>) target_semaphore(%run_scoped3A : memref<!tpu.dma_semaphore, #tpu.memory_space<semaphore_mem>>)
      %dma_wait3A_9 = tpu.memref_slice %arg3[%mul3A_2] : memref<2048xi32, #tpu.memory_space<hbm>> -> memref<64xi32, #tpu.memory_space<hbm>>
      %dma_wait3A_10 = tpu.memref_slice %arg3[%mul3A_2] : memref<2048xi32, #tpu.memory_space<hbm>> -> memref<64xi32, #tpu.memory_space<hbm>>
      tpu.wait_dma2 semaphore(%run_scoped3A : memref<!tpu.dma_semaphore, #tpu.memory_space<semaphore_mem>>) src(%dma_wait3A_10 : memref<64xi32, #tpu.memory_space<hbm>>) dst(%arg5 : memref<64xi32, #tpu.memory_space<vmem>>)
      tpu.yield
    }) : () -> ()
    "tpu.region"() ({
      %run_scoped3A = tpu.sem_alloc : memref<!tpu.dma_semaphore, #tpu.memory_space<semaphore_mem>>
      %dma_start3A_7 = arith.constant 0 : i32
      %dma_start3A_8 = tpu.memref_slice %arg2[%mul3A_2, %dma_start3A_7] : memref<2048x768xf32, #tpu.memory_space<hbm>> -> memref<64x768xf32, #tpu.memory_space<hbm>>
      %dma_start3A_9 = arith.constant 0 : i32
      %dma_start3A_10 = tpu.memref_slice %arg2[%mul3A_2, %dma_start3A_9] : memref<2048x768xf32, #tpu.memory_space<hbm>> -> memref<64x768xf32, #tpu.memory_space<hbm>>
      tpu.enqueue_dma source(%dma_start3A_10 : memref<64x768xf32, #tpu.memory_space<hbm>>) target(%arg6 : memref<64x768xf32, #tpu.memory_space<vmem>>) target_semaphore(%run_scoped3A : memref<!tpu.dma_semaphore, #tpu.memory_space<semaphore_mem>>)
      %dma_wait3A_11 = arith.constant 0 : i32
      %dma_wait3A_12 = tpu.memref_slice %arg2[%mul3A_2, %dma_wait3A_11] : memref<2048x768xf32, #tpu.memory_space<hbm>> -> memref<64x768xf32, #tpu.memory_space<hbm>>
      %dma_wait3A_13 = arith.constant 0 : i32
      %dma_wait3A_14 = tpu.memref_slice %arg2[%mul3A_2, %dma_wait3A_13] : memref<2048x768xf32, #tpu.memory_space<hbm>> -> memref<64x768xf32, #tpu.memory_space<hbm>>
      tpu.wait_dma2 semaphore(%run_scoped3A : memref<!tpu.dma_semaphore, #tpu.memory_space<semaphore_mem>>) src(%dma_wait3A_14 : memref<64x768xf32, #tpu.memory_space<hbm>>) dst(%arg6 : memref<64x768xf32, #tpu.memory_space<vmem>>)
      tpu.yield
    }) : () -> ()
    %dma_start3A = arith.constant 0 : i32
    %dma_start3A_3 = arith.constant 0 : i32
    %dma_start3A_4 = tpu.memref_slice %arg4[%dma_start3A, %dma_start3A_3] : memref<4096x768xf32, #tpu.memory_space<hbm>> -> memref<4096x768xf32, #tpu.memory_space<hbm>>
    tpu.enqueue_indirect_dma source(%arg6 : memref<64x768xf32, #tpu.memory_space<vmem>>) target(%dma_start3A_4 : memref<4096x768xf32, #tpu.memory_space<hbm>>) offsets(%arg5 : memref<64xi32, #tpu.memory_space<vmem>>) semaphore(%arg7 : memref<!tpu.dma_semaphore, #tpu.memory_space<semaphore_mem>>)
    %dma_wait3A = arith.constant 0 : i32
    %dma_wait3A_5 = arith.constant 0 : i32
    %dma_wait3A_6 = tpu.memref_slice %arg4[%dma_wait3A, %dma_wait3A_5] : memref<4096x768xf32, #tpu.memory_space<hbm>> -> memref<4096x768xf32, #tpu.memory_space<hbm>>
    tpu.wait_indirect_dma semaphore(%arg7 : memref<!tpu.dma_semaphore, #tpu.memory_space<semaphore_mem>>) src(%arg6 : memref<64x768xf32, #tpu.memory_space<vmem>>) dst(%dma_wait3A_6 : memref<4096x768xf32, #tpu.memory_space<hbm>>)
    return
  }
}

module attributes {stable_mosaic.version = 14 : i64} {
  func.func @_gating_body(%arg0: memref<2048x768xf32, #tpu.memory_space<vmem>>, %arg1: memref<768x8xf32, #tpu.memory_space<vmem>>, %arg2: memref<1x8xf32, #tpu.memory_space<vmem>>, %arg3: memref<2048x1xi32, #tpu.memory_space<vmem>>, %arg4: memref<16x1xi32, #tpu.memory_space<vmem>>) attributes {dimension_semantics = [], scalar_prefetch = 0 : i64, scratch_operands = 0 : i64, tpu.core_type = #tpu.core_type<tc>} {
    %get3A = arith.constant 0 : index
    %get3A_0 = arith.constant 0 : index
    %get3A_1 = vector.load %arg0[%get3A, %get3A_0] : memref<2048x768xf32, #tpu.memory_space<vmem>>, vector<2048x768xf32>
    %get3A_2 = arith.constant 0 : index
    %get3A_3 = arith.constant 0 : index
    %get3A_4 = vector.load %arg1[%get3A_2, %get3A_3] : memref<768x8xf32, #tpu.memory_space<vmem>>, vector<768x8xf32>
    %dot_general3A = arith.constant dense<0.000000e+00> : vector<2048x8xf32>
    %dot_general3A_5 = tpu.matmul %get3A_1, %get3A_4, %dot_general3A {dimension_numbers = #tpu.dot_dimension_numbers<[1], [0], [0], [1], [0, 0, 1, 1], [], []>, transpose_lhs_hint = false} : vector<2048x768xf32>, vector<768x8xf32>, vector<2048x8xf32> -> vector<2048x8xf32>
    %get3A_6 = arith.constant 0 : index
    %get3A_7 = arith.constant 0 : index
    %get3A_8 = vector.load %arg2[%get3A_6, %get3A_7] : memref<1x8xf32, #tpu.memory_space<vmem>>, vector<1x8xf32>
    %add3A = vector.broadcast %get3A_8 : vector<1x8xf32> to vector<2048x8xf32>
    %add3A_9 = arith.addf %dot_general3A_5, %add3A : vector<2048x8xf32>
    %reduce_max3A = arith.constant dense<0xFF800000> : vector<2048xf32>
    %reduce_max3A_10 = vector.multi_reduction <maximumf>, %add3A_9, %reduce_max3A [1] : vector<2048x8xf32> to vector<2048xf32>
    %broadcast_in_dim3A = vector.shape_cast %reduce_max3A_10 : vector<2048xf32> to vector<2048x1xf32>
    %iota3A = tpu.iota {dimensions = array<i32: 1>} : vector<2048x8xi32>
    %eq3A = vector.broadcast %broadcast_in_dim3A : vector<2048x1xf32> to vector<2048x8xf32>
    %eq3A_11 = arith.cmpf oeq, %add3A_9, %eq3A : vector<2048x8xf32>
    %jit3A = arith.constant 1073741824 : i32
    %broadcast_in_dim3A_12 = vector.broadcast %jit3A : i32 to vector<2048x8xi32>
    %select_n3A = arith.select %eq3A_11, %iota3A, %broadcast_in_dim3A_12 : vector<2048x8xi1>, vector<2048x8xi32>
    %reduce_min3A = arith.constant dense<2147483647> : vector<2048xi32>
    %reduce_min3A_13 = vector.multi_reduction <minsi>, %select_n3A, %reduce_min3A [1] : vector<2048x8xi32> to vector<2048xi32>
    %broadcast_in_dim3A_14 = vector.shape_cast %reduce_min3A_13 : vector<2048xi32> to vector<2048x1xi32>
    %eq3A_15 = vector.broadcast %broadcast_in_dim3A_14 : vector<2048x1xi32> to vector<2048x8xi32>
    %eq3A_16 = arith.cmpi eq, %iota3A, %eq3A_15 : vector<2048x8xi32>
    %convert_element_type3A = arith.extui %eq3A_16 : vector<2048x8xi1> to vector<2048x8xi32>
    %convert_element_type3A_17 = arith.sitofp %convert_element_type3A : vector<2048x8xi32> to vector<2048x8xf32>
    %iota3A_18 = tpu.iota {dimensions = array<i32: 1>} : vector<256x2048xi32>
    %iota3A_19 = tpu.iota {dimensions = array<i32: 0>} : vector<256x2048xi32>
    %add3A_20 = arith.constant 0 : i32
    %add3A_21 = vector.broadcast %add3A_20 : i32 to vector<256x2048xi32>
    %add3A_22 = arith.addi %iota3A_19, %add3A_21 : vector<256x2048xi32>
    %le3A = arith.cmpi sle, %iota3A_18, %add3A_22 : vector<256x2048xi32>
    %jit3A_23 = arith.constant 1.000000e+00 : f32
    %jit3A_24 = arith.constant 0.000000e+00 : f32
    %broadcast_in_dim3A_25 = vector.broadcast %jit3A_23 : f32 to vector<256x2048xf32>
    %broadcast_in_dim3A_26 = vector.broadcast %jit3A_24 : f32 to vector<256x2048xf32>
    %select_n3A_27 = arith.select %le3A, %broadcast_in_dim3A_25, %broadcast_in_dim3A_26 : vector<256x2048xi1>, vector<256x2048xf32>
    %dot_general3A_28 = arith.constant dense<0.000000e+00> : vector<256x8xf32>
    %dot_general3A_29 = tpu.matmul %select_n3A_27, %convert_element_type3A_17, %dot_general3A_28 {dimension_numbers = #tpu.dot_dimension_numbers<[1], [0], [0], [1], [0, 0, 1, 1], [], []>, transpose_lhs_hint = false} : vector<256x2048xf32>, vector<2048x8xf32>, vector<256x8xf32> -> vector<256x8xf32>
    %iota3A_30 = tpu.iota {dimensions = array<i32: 0>} : vector<256x2048xi32>
    %add3A_31 = arith.constant 256 : i32
    %add3A_32 = vector.broadcast %add3A_31 : i32 to vector<256x2048xi32>
    %add3A_33 = arith.addi %iota3A_30, %add3A_32 : vector<256x2048xi32>
    %le3A_34 = arith.cmpi sle, %iota3A_18, %add3A_33 : vector<256x2048xi32>
    %jit3A_35 = arith.constant 1.000000e+00 : f32
    %jit3A_36 = arith.constant 0.000000e+00 : f32
    %broadcast_in_dim3A_37 = vector.broadcast %jit3A_35 : f32 to vector<256x2048xf32>
    %broadcast_in_dim3A_38 = vector.broadcast %jit3A_36 : f32 to vector<256x2048xf32>
    %select_n3A_39 = arith.select %le3A_34, %broadcast_in_dim3A_37, %broadcast_in_dim3A_38 : vector<256x2048xi1>, vector<256x2048xf32>
    %dot_general3A_40 = arith.constant dense<0.000000e+00> : vector<256x8xf32>
    %dot_general3A_41 = tpu.matmul %select_n3A_39, %convert_element_type3A_17, %dot_general3A_40 {dimension_numbers = #tpu.dot_dimension_numbers<[1], [0], [0], [1], [0, 0, 1, 1], [], []>, transpose_lhs_hint = false} : vector<256x2048xf32>, vector<2048x8xf32>, vector<256x8xf32> -> vector<256x8xf32>
    %iota3A_42 = tpu.iota {dimensions = array<i32: 0>} : vector<256x2048xi32>
    %add3A_43 = arith.constant 512 : i32
    %add3A_44 = vector.broadcast %add3A_43 : i32 to vector<256x2048xi32>
    %add3A_45 = arith.addi %iota3A_42, %add3A_44 : vector<256x2048xi32>
    %le3A_46 = arith.cmpi sle, %iota3A_18, %add3A_45 : vector<256x2048xi32>
    %jit3A_47 = arith.constant 1.000000e+00 : f32
    %jit3A_48 = arith.constant 0.000000e+00 : f32
    %broadcast_in_dim3A_49 = vector.broadcast %jit3A_47 : f32 to vector<256x2048xf32>
    %broadcast_in_dim3A_50 = vector.broadcast %jit3A_48 : f32 to vector<256x2048xf32>
    %select_n3A_51 = arith.select %le3A_46, %broadcast_in_dim3A_49, %broadcast_in_dim3A_50 : vector<256x2048xi1>, vector<256x2048xf32>
    %dot_general3A_52 = arith.constant dense<0.000000e+00> : vector<256x8xf32>
    %dot_general3A_53 = tpu.matmul %select_n3A_51, %convert_element_type3A_17, %dot_general3A_52 {dimension_numbers = #tpu.dot_dimension_numbers<[1], [0], [0], [1], [0, 0, 1, 1], [], []>, transpose_lhs_hint = false} : vector<256x2048xf32>, vector<2048x8xf32>, vector<256x8xf32> -> vector<256x8xf32>
    %iota3A_54 = tpu.iota {dimensions = array<i32: 0>} : vector<256x2048xi32>
    %add3A_55 = arith.constant 768 : i32
    %add3A_56 = vector.broadcast %add3A_55 : i32 to vector<256x2048xi32>
    %add3A_57 = arith.addi %iota3A_54, %add3A_56 : vector<256x2048xi32>
    %le3A_58 = arith.cmpi sle, %iota3A_18, %add3A_57 : vector<256x2048xi32>
    %jit3A_59 = arith.constant 1.000000e+00 : f32
    %jit3A_60 = arith.constant 0.000000e+00 : f32
    %broadcast_in_dim3A_61 = vector.broadcast %jit3A_59 : f32 to vector<256x2048xf32>
    %broadcast_in_dim3A_62 = vector.broadcast %jit3A_60 : f32 to vector<256x2048xf32>
    %select_n3A_63 = arith.select %le3A_58, %broadcast_in_dim3A_61, %broadcast_in_dim3A_62 : vector<256x2048xi1>, vector<256x2048xf32>
    %dot_general3A_64 = arith.constant dense<0.000000e+00> : vector<256x8xf32>
    %dot_general3A_65 = tpu.matmul %select_n3A_63, %convert_element_type3A_17, %dot_general3A_64 {dimension_numbers = #tpu.dot_dimension_numbers<[1], [0], [0], [1], [0, 0, 1, 1], [], []>, transpose_lhs_hint = false} : vector<256x2048xf32>, vector<2048x8xf32>, vector<256x8xf32> -> vector<256x8xf32>
    %iota3A_66 = tpu.iota {dimensions = array<i32: 0>} : vector<256x2048xi32>
    %add3A_67 = arith.constant 1024 : i32
    %add3A_68 = vector.broadcast %add3A_67 : i32 to vector<256x2048xi32>
    %add3A_69 = arith.addi %iota3A_66, %add3A_68 : vector<256x2048xi32>
    %le3A_70 = arith.cmpi sle, %iota3A_18, %add3A_69 : vector<256x2048xi32>
    %jit3A_71 = arith.constant 1.000000e+00 : f32
    %jit3A_72 = arith.constant 0.000000e+00 : f32
    %broadcast_in_dim3A_73 = vector.broadcast %jit3A_71 : f32 to vector<256x2048xf32>
    %broadcast_in_dim3A_74 = vector.broadcast %jit3A_72 : f32 to vector<256x2048xf32>
    %select_n3A_75 = arith.select %le3A_70, %broadcast_in_dim3A_73, %broadcast_in_dim3A_74 : vector<256x2048xi1>, vector<256x2048xf32>
    %dot_general3A_76 = arith.constant dense<0.000000e+00> : vector<256x8xf32>
    %dot_general3A_77 = tpu.matmul %select_n3A_75, %convert_element_type3A_17, %dot_general3A_76 {dimension_numbers = #tpu.dot_dimension_numbers<[1], [0], [0], [1], [0, 0, 1, 1], [], []>, transpose_lhs_hint = false} : vector<256x2048xf32>, vector<2048x8xf32>, vector<256x8xf32> -> vector<256x8xf32>
    %iota3A_78 = tpu.iota {dimensions = array<i32: 0>} : vector<256x2048xi32>
    %add3A_79 = arith.constant 1280 : i32
    %add3A_80 = vector.broadcast %add3A_79 : i32 to vector<256x2048xi32>
    %add3A_81 = arith.addi %iota3A_78, %add3A_80 : vector<256x2048xi32>
    %le3A_82 = arith.cmpi sle, %iota3A_18, %add3A_81 : vector<256x2048xi32>
    %jit3A_83 = arith.constant 1.000000e+00 : f32
    %jit3A_84 = arith.constant 0.000000e+00 : f32
    %broadcast_in_dim3A_85 = vector.broadcast %jit3A_83 : f32 to vector<256x2048xf32>
    %broadcast_in_dim3A_86 = vector.broadcast %jit3A_84 : f32 to vector<256x2048xf32>
    %select_n3A_87 = arith.select %le3A_82, %broadcast_in_dim3A_85, %broadcast_in_dim3A_86 : vector<256x2048xi1>, vector<256x2048xf32>
    %dot_general3A_88 = arith.constant dense<0.000000e+00> : vector<256x8xf32>
    %dot_general3A_89 = tpu.matmul %select_n3A_87, %convert_element_type3A_17, %dot_general3A_88 {dimension_numbers = #tpu.dot_dimension_numbers<[1], [0], [0], [1], [0, 0, 1, 1], [], []>, transpose_lhs_hint = false} : vector<256x2048xf32>, vector<2048x8xf32>, vector<256x8xf32> -> vector<256x8xf32>
    %iota3A_90 = tpu.iota {dimensions = array<i32: 0>} : vector<256x2048xi32>
    %add3A_91 = arith.constant 1536 : i32
    %add3A_92 = vector.broadcast %add3A_91 : i32 to vector<256x2048xi32>
    %add3A_93 = arith.addi %iota3A_90, %add3A_92 : vector<256x2048xi32>
    %le3A_94 = arith.cmpi sle, %iota3A_18, %add3A_93 : vector<256x2048xi32>
    %jit3A_95 = arith.constant 1.000000e+00 : f32
    %jit3A_96 = arith.constant 0.000000e+00 : f32
    %broadcast_in_dim3A_97 = vector.broadcast %jit3A_95 : f32 to vector<256x2048xf32>
    %broadcast_in_dim3A_98 = vector.broadcast %jit3A_96 : f32 to vector<256x2048xf32>
    %select_n3A_99 = arith.select %le3A_94, %broadcast_in_dim3A_97, %broadcast_in_dim3A_98 : vector<256x2048xi1>, vector<256x2048xf32>
    %dot_general3A_100 = arith.constant dense<0.000000e+00> : vector<256x8xf32>
    %dot_general3A_101 = tpu.matmul %select_n3A_99, %convert_element_type3A_17, %dot_general3A_100 {dimension_numbers = #tpu.dot_dimension_numbers<[1], [0], [0], [1], [0, 0, 1, 1], [], []>, transpose_lhs_hint = false} : vector<256x2048xf32>, vector<2048x8xf32>, vector<256x8xf32> -> vector<256x8xf32>
    %iota3A_102 = tpu.iota {dimensions = array<i32: 0>} : vector<256x2048xi32>
    %add3A_103 = arith.constant 1792 : i32
    %add3A_104 = vector.broadcast %add3A_103 : i32 to vector<256x2048xi32>
    %add3A_105 = arith.addi %iota3A_102, %add3A_104 : vector<256x2048xi32>
    %le3A_106 = arith.cmpi sle, %iota3A_18, %add3A_105 : vector<256x2048xi32>
    %jit3A_107 = arith.constant 1.000000e+00 : f32
    %jit3A_108 = arith.constant 0.000000e+00 : f32
    %broadcast_in_dim3A_109 = vector.broadcast %jit3A_107 : f32 to vector<256x2048xf32>
    %broadcast_in_dim3A_110 = vector.broadcast %jit3A_108 : f32 to vector<256x2048xf32>
    %select_n3A_111 = arith.select %le3A_106, %broadcast_in_dim3A_109, %broadcast_in_dim3A_110 : vector<256x2048xi1>, vector<256x2048xf32>
    %dot_general3A_112 = arith.constant dense<0.000000e+00> : vector<256x8xf32>
    %dot_general3A_113 = tpu.matmul %select_n3A_111, %convert_element_type3A_17, %dot_general3A_112 {dimension_numbers = #tpu.dot_dimension_numbers<[1], [0], [0], [1], [0, 0, 1, 1], [], []>, transpose_lhs_hint = false} : vector<256x2048xf32>, vector<2048x8xf32>, vector<256x8xf32> -> vector<256x8xf32>
    %concatenate3A = tpu.concatenate %dot_general3A_29, %dot_general3A_41, %dot_general3A_53, %dot_general3A_65, %dot_general3A_77, %dot_general3A_89, %dot_general3A_101, %dot_general3A_113 in 0 : vector<256x8xf32>, vector<256x8xf32>, vector<256x8xf32>, vector<256x8xf32>, vector<256x8xf32>, vector<256x8xf32>, vector<256x8xf32>, vector<256x8xf32> -> vector<2048x8xf32>
    %sub3A = arith.constant 1.000000e+00 : f32
    %sub3A_114 = vector.broadcast %sub3A : f32 to vector<2048x8xf32>
    %sub3A_115 = arith.subf %concatenate3A, %sub3A_114 : vector<2048x8xf32>
    %mul3A = arith.mulf %convert_element_type3A_17, %sub3A_115 : vector<2048x8xf32>
    %reduce_sum3A = arith.constant dense<0.000000e+00> : vector<2048xf32>
    %reduce_sum3A_116 = vector.multi_reduction <add>, %mul3A, %reduce_sum3A [1] : vector<2048x8xf32> to vector<2048xf32>
    %broadcast_in_dim3A_117 = vector.shape_cast %reduce_sum3A_116 : vector<2048xf32> to vector<2048x1xf32>
    %slice3A = vector.extract_strided_slice %concatenate3A {offsets = [2047, 0], sizes = [1, 8], strides = [1, 1]} : vector<2048x8xf32> to vector<1x8xf32>
    %add3A_118 = arith.constant 2.550000e+02 : f32
    %add3A_119 = vector.broadcast %add3A_118 : f32 to vector<1x8xf32>
    %add3A_120 = arith.addf %slice3A, %add3A_119 : vector<1x8xf32>
    %div3A = arith.constant 2.560000e+02 : f32
    %div3A_121 = vector.broadcast %div3A : f32 to vector<1x8xf32>
    %div3A_122 = arith.divf %add3A_120, %div3A_121 : vector<1x8xf32>
    %floor3A = math.floor %div3A_122 : vector<1x8xf32>
    %mul3A_123 = arith.constant 2.560000e+02 : f32
    %mul3A_124 = vector.broadcast %mul3A_123 : f32 to vector<1x8xf32>
    %mul3A_125 = arith.mulf %floor3A, %mul3A_124 : vector<1x8xf32>
    %iota3A_126 = tpu.iota {dimensions = array<i32: 0>} : vector<8x8xi32>
    %iota3A_127 = tpu.iota {dimensions = array<i32: 1>} : vector<8x8xi32>
    %lt3A = arith.cmpi slt, %iota3A_126, %iota3A_127 : vector<8x8xi32>
    %jit3A_128 = arith.constant 1.000000e+00 : f32
    %jit3A_129 = arith.constant 0.000000e+00 : f32
    %broadcast_in_dim3A_130 = vector.broadcast %jit3A_128 : f32 to vector<8x8xf32>
    %broadcast_in_dim3A_131 = vector.broadcast %jit3A_129 : f32 to vector<8x8xf32>
    %select_n3A_132 = arith.select %lt3A, %broadcast_in_dim3A_130, %broadcast_in_dim3A_131 : vector<8x8xi1>, vector<8x8xf32>
    %dot_general3A_133 = arith.constant dense<0.000000e+00> : vector<1x8xf32>
    %dot_general3A_134 = tpu.matmul %mul3A_125, %select_n3A_132, %dot_general3A_133 {dimension_numbers = #tpu.dot_dimension_numbers<[1], [0], [0], [1], [0, 0, 1, 1], [], []>, transpose_lhs_hint = false} : vector<1x8xf32>, vector<8x8xf32>, vector<1x8xf32> -> vector<1x8xf32>
    %add3A_135 = arith.addf %dot_general3A_134, %mul3A_125 : vector<1x8xf32>
    %mul3A_136 = vector.broadcast %dot_general3A_134 : vector<1x8xf32> to vector<2048x8xf32>
    %mul3A_137 = arith.mulf %convert_element_type3A_17, %mul3A_136 : vector<2048x8xf32>
    %reduce_sum3A_138 = arith.constant dense<0.000000e+00> : vector<2048xf32>
    %reduce_sum3A_139 = vector.multi_reduction <add>, %mul3A_137, %reduce_sum3A_138 [1] : vector<2048x8xf32> to vector<2048xf32>
    %broadcast_in_dim3A_140 = vector.shape_cast %reduce_sum3A_139 : vector<2048xf32> to vector<2048x1xf32>
    %add3A_141 = arith.addf %broadcast_in_dim3A_140, %broadcast_in_dim3A_117 : vector<2048x1xf32>
    %convert_element_type3A_142 = arith.fptosi %add3A_141 : vector<2048x1xf32> to vector<2048x1xi32>
    %swap3A = arith.constant 0 : index
    %swap3A_143 = arith.constant 0 : index
    %swap3A_144 = vector.load %arg3[%swap3A, %swap3A_143] : memref<2048x1xi32, #tpu.memory_space<vmem>>, vector<2048x1xi32>
    tpu.vector_store %arg3[%swap3A, %swap3A_143], %convert_element_type3A_142 {strides = array<i32>} : memref<2048x1xi32, #tpu.memory_space<vmem>>, vector<2048x1xi32>,
    %iota3A_145 = tpu.iota {dimensions = array<i32: 0>} : vector<16x8xi32>
    %mul3A_146 = arith.constant 256 : i32
    %mul3A_147 = vector.broadcast %mul3A_146 : i32 to vector<16x8xi32>
    %mul3A_148 = arith.muli %iota3A_145, %mul3A_147 : vector<16x8xi32>
    %convert_element_type3A_149 = arith.sitofp %mul3A_148 : vector<16x8xi32> to vector<16x8xf32>
    %broadcast_in_dim3A_150 = vector.shape_cast %add3A_135 : vector<1x8xf32> to vector<1x8xf32>
    %broadcast_in_dim3A_151 = vector.broadcast %broadcast_in_dim3A_150 : vector<1x8xf32> to vector<16x8xf32>
    %le3A_152 = arith.cmpf ole, %broadcast_in_dim3A_151, %convert_element_type3A_149 : vector<16x8xf32>
    %jit3A_153 = arith.constant 1 : i32
    %jit3A_154 = arith.constant 0 : i32
    %broadcast_in_dim3A_155 = vector.broadcast %jit3A_153 : i32 to vector<16x8xi32>
    %broadcast_in_dim3A_156 = vector.broadcast %jit3A_154 : i32 to vector<16x8xi32>
    %select_n3A_157 = arith.select %le3A_152, %broadcast_in_dim3A_155, %broadcast_in_dim3A_156 : vector<16x8xi1>, vector<16x8xi32>
    %reduce_sum3A_158 = arith.constant dense<0> : vector<16xi32>
    %reduce_sum3A_159 = vector.multi_reduction <add>, %select_n3A_157, %reduce_sum3A_158 [1] : vector<16x8xi32> to vector<16xi32>
    %broadcast_in_dim3A_160 = vector.shape_cast %reduce_sum3A_159 : vector<16xi32> to vector<16x1xi32>
    %min3A = arith.constant 7 : i32
    %min3A_161 = vector.broadcast %min3A : i32 to vector<16x1xi32>
    %min3A_162 = arith.minsi %broadcast_in_dim3A_160, %min3A_161 : vector<16x1xi32>
    %swap3A_163 = arith.constant 0 : index
    %swap3A_164 = arith.constant 0 : index
    %swap3A_165 = vector.load %arg4[%swap3A_163, %swap3A_164] : memref<16x1xi32, #tpu.memory_space<vmem>>, vector<16x1xi32>
    tpu.vector_store %arg4[%swap3A_163, %swap3A_164], %min3A_162 {strides = array<i32>} : memref<16x1xi32, #tpu.memory_space<vmem>>, vector<16x1xi32>,
    return
  }
}

module attributes {stable_mosaic.version = 14 : i64} {
  func.func @_mlp_body(%arg0: i32, %arg1: i32, %arg2: memref<16xi32, #tpu.memory_space<smem>>, %arg3: memref<4096x768xf32, #tpu.memory_space<vmem>>, %arg4: memref<1x768x1536xf32, #tpu.memory_space<vmem>>, %arg5: memref<1x1x1536xf32, #tpu.memory_space<vmem>>, %arg6: memref<1x1536x768xf32, #tpu.memory_space<vmem>>, %arg7: memref<1x1x768xf32, #tpu.memory_space<vmem>>, %arg8: memref<4096x768xf32, #tpu.memory_space<vmem>>) attributes {dimension_semantics = [#tpu.dimension_semantics<arbitrary>, #tpu.dimension_semantics<arbitrary>], iteration_bounds = array<i64: 2, 16>, scalar_prefetch = 1 : i64, scratch_operands = 0 : i64, tpu.core_type = #tpu.core_type<tc>, window_params = [{pipeline_mode = #tpu.pipeline_mode<synchronous>, transform_indices = @transform_0, window_bounds = array<i64: 4096, 768>}, {transform_indices = @transform_1, window_bounds = array<i64: 1, 768, 1536>}, {transform_indices = @transform_2, window_bounds = array<i64: 1, 1, 1536>}, {transform_indices = @transform_3, window_bounds = array<i64: 1, 1536, 768>}, {transform_indices = @transform_4, window_bounds = array<i64: 1, 1, 768>}, {pipeline_mode = #tpu.pipeline_mode<synchronous>, transform_indices = @transform_5, window_bounds = array<i64: 4096, 768>}]} {
    %mul3A = arith.constant 256 : i32
    %mul3A_0 = arith.muli %arg1, %mul3A : i32
    %get3A = arith.index_cast %mul3A_0 : i32 to index
    %get3A_1 = arith.constant 0 : index
    %get3A_2 = vector.load %arg3[%get3A, %get3A_1] : memref<4096x768xf32, #tpu.memory_space<vmem>>, vector<256x768xf32>
    %get3A_3 = arith.constant 0 : index
    %get3A_4 = arith.constant 0 : index
    %get3A_5 = arith.constant 0 : index
    %get3A_6 = vector.load %arg4[%get3A_3, %get3A_4, %get3A_5] : memref<1x768x1536xf32, #tpu.memory_space<vmem>>, vector<1x768x1536xf32>
    %get3A_7 = vector.shape_cast %get3A_6 : vector<1x768x1536xf32> to vector<768x1536xf32>
    %dot_general3A = arith.constant dense<0.000000e+00> : vector<256x1536xf32>
    %dot_general3A_8 = tpu.matmul %get3A_2, %get3A_7, %dot_general3A {dimension_numbers = #tpu.dot_dimension_numbers<[1], [0], [0], [1], [0, 0, 1, 1], [], []>, transpose_lhs_hint = false} : vector<256x768xf32>, vector<768x1536xf32>, vector<256x1536xf32> -> vector<256x1536xf32>
    %get3A_9 = arith.constant 0 : index
    %get3A_10 = arith.constant 0 : index
    %get3A_11 = arith.constant 0 : index
    %get3A_12 = vector.load %arg5[%get3A_9, %get3A_10, %get3A_11] : memref<1x1x1536xf32, #tpu.memory_space<vmem>>, vector<1x1x1536xf32>
    %get3A_13 = vector.shape_cast %get3A_12 : vector<1x1x1536xf32> to vector<1x1536xf32>
    %add3A = vector.broadcast %get3A_13 : vector<1x1536xf32> to vector<256x1536xf32>
    %add3A_14 = arith.addf %dot_general3A_8, %add3A : vector<256x1536xf32>
    %mul3A_15 = arith.constant 5.000000e-01 : f32
    %mul3A_16 = vector.broadcast %mul3A_15 : f32 to vector<256x1536xf32>
    %mul3A_17 = arith.mulf %mul3A_16, %add3A_14 : vector<256x1536xf32>
    %mul3A_18 = arith.constant 0.707106769 : f32
    %mul3A_19 = vector.broadcast %mul3A_18 : f32 to vector<256x1536xf32>
    %mul3A_20 = arith.mulf %add3A_14, %mul3A_19 : vector<256x1536xf32>
    %erf3A = math.erf %mul3A_20 : vector<256x1536xf32>
    %add3A_21 = arith.constant 1.000000e+00 : f32
    %add3A_22 = vector.broadcast %add3A_21 : f32 to vector<256x1536xf32>
    %add3A_23 = arith.addf %add3A_22, %erf3A : vector<256x1536xf32>
    %mul3A_24 = arith.mulf %mul3A_17, %add3A_23 : vector<256x1536xf32>
    %get3A_25 = arith.constant 0 : index
    %get3A_26 = arith.constant 0 : index
    %get3A_27 = arith.constant 0 : index
    %get3A_28 = vector.load %arg6[%get3A_25, %get3A_26, %get3A_27] : memref<1x1536x768xf32, #tpu.memory_space<vmem>>, vector<1x1536x768xf32>
    %get3A_29 = vector.shape_cast %get3A_28 : vector<1x1536x768xf32> to vector<1536x768xf32>
    %dot_general3A_30 = arith.constant dense<0.000000e+00> : vector<256x768xf32>
    %dot_general3A_31 = tpu.matmul %mul3A_24, %get3A_29, %dot_general3A_30 {dimension_numbers = #tpu.dot_dimension_numbers<[1], [0], [0], [1], [0, 0, 1, 1], [], []>, transpose_lhs_hint = false} : vector<256x1536xf32>, vector<1536x768xf32>, vector<256x768xf32> -> vector<256x768xf32>
    %eq3A = arith.constant 0 : i32
    %eq3A_32 = arith.cmpi eq, %arg0, %eq3A : i32
    %convert_element_type3A = arith.extui %eq3A_32 : i1 to i32
    %cond3A = arith.constant 0 : i32
    %cond3A_33 = arith.cmpi ne, %convert_element_type3A, %cond3A : i32
    scf.if %cond3A_33 {
      %get3A_38 = arith.constant 0 : index
      %get3A_39 = arith.constant 0 : index
      %get3A_40 = arith.constant 0 : index
      %get3A_41 = vector.load %arg7[%get3A_38, %get3A_39, %get3A_40] : memref<1x1x768xf32, #tpu.memory_space<vmem>>, vector<1x1x768xf32>
      %get3A_42 = vector.shape_cast %get3A_41 : vector<1x1x768xf32> to vector<1x768xf32>
      %add3A_43 = vector.broadcast %get3A_42 : vector<1x768xf32> to vector<256x768xf32>
      %add3A_44 = arith.addf %dot_general3A_31, %add3A_43 : vector<256x768xf32>
      %swap3A = arith.index_cast %mul3A_0 : i32 to index
      %swap3A_45 = arith.constant 0 : index
      %swap3A_46 = vector.load %arg8[%swap3A, %swap3A_45] : memref<4096x768xf32, #tpu.memory_space<vmem>>, vector<256x768xf32>
      tpu.vector_store %arg8[%swap3A, %swap3A_45], %add3A_44 {strides = array<i32>} : memref<4096x768xf32, #tpu.memory_space<vmem>>, vector<256x768xf32>,
    } else {
    }
    %gt3A = arith.constant 0 : i32
    %gt3A_34 = arith.cmpi sgt, %arg0, %gt3A : i32
    %convert_element_type3A_35 = arith.extui %gt3A_34 : i1 to i32
    %cond3A_36 = arith.constant 0 : i32
    %cond3A_37 = arith.cmpi ne, %convert_element_type3A_35, %cond3A_36 : i32
    scf.if %cond3A_37 {
      %get3A_38 = arith.index_cast %mul3A_0 : i32 to index
      %get3A_39 = arith.constant 0 : index
      %get3A_40 = vector.load %arg8[%get3A_38, %get3A_39] : memref<4096x768xf32, #tpu.memory_space<vmem>>, vector<256x768xf32>
      %add3A_41 = arith.addf %get3A_40, %dot_general3A_31 : vector<256x768xf32>
      %swap3A = arith.index_cast %mul3A_0 : i32 to index
      %swap3A_42 = arith.constant 0 : index
      %swap3A_43 = vector.load %arg8[%swap3A, %swap3A_42] : memref<4096x768xf32, #tpu.memory_space<vmem>>, vector<256x768xf32>
      tpu.vector_store %arg8[%swap3A, %swap3A_42], %add3A_41 {strides = array<i32>} : memref<4096x768xf32, #tpu.memory_space<vmem>>, vector<256x768xf32>,
    } else {
    }
    return
  }
  func.func @transform_0(%arg0: i32, %arg1: i32, %arg2: memref<16xi32, #tpu.memory_space<smem>>) -> (i32, i32) {
    %c0_i32 = arith.constant 0 : i32
    %c0_i32_0 = arith.constant 0 : i32
    %c0_i32_1 = arith.constant 0 : i32
    return %c0_i32, %c0_i32_0 : i32, i32
  }
  func.func @transform_1(%arg0: i32, %arg1: i32, %arg2: memref<16xi32, #tpu.memory_space<smem>>) -> (i32, i32, i32) {
    %get3A = arith.index_cast %arg1 : i32 to index
    %get3A_0 = memref.load %arg2[%get3A] : memref<16xi32, #tpu.memory_space<smem>>
    %c0_i32 = arith.constant 0 : i32
    %c0_i32_1 = arith.constant 0 : i32
    return %get3A_0, %c0_i32, %arg0 : i32, i32, i32
  }
  func.func @transform_2(%arg0: i32, %arg1: i32, %arg2: memref<16xi32, #tpu.memory_space<smem>>) -> (i32, i32, i32) {
    %get3A = arith.index_cast %arg1 : i32 to index
    %get3A_0 = memref.load %arg2[%get3A] : memref<16xi32, #tpu.memory_space<smem>>
    %c0_i32 = arith.constant 0 : i32
    %c0_i32_1 = arith.constant 0 : i32
    return %get3A_0, %c0_i32, %arg0 : i32, i32, i32
  }
  func.func @transform_3(%arg0: i32, %arg1: i32, %arg2: memref<16xi32, #tpu.memory_space<smem>>) -> (i32, i32, i32) {
    %get3A = arith.index_cast %arg1 : i32 to index
    %get3A_0 = memref.load %arg2[%get3A] : memref<16xi32, #tpu.memory_space<smem>>
    %c0_i32 = arith.constant 0 : i32
    %c0_i32_1 = arith.constant 0 : i32
    return %get3A_0, %arg0, %c0_i32 : i32, i32, i32
  }
  func.func @transform_4(%arg0: i32, %arg1: i32, %arg2: memref<16xi32, #tpu.memory_space<smem>>) -> (i32, i32, i32) {
    %get3A = arith.index_cast %arg1 : i32 to index
    %get3A_0 = memref.load %arg2[%get3A] : memref<16xi32, #tpu.memory_space<smem>>
    %c0_i32 = arith.constant 0 : i32
    %c0_i32_1 = arith.constant 0 : i32
    %c0_i32_2 = arith.constant 0 : i32
    return %get3A_0, %c0_i32, %c0_i32_1 : i32, i32, i32
  }
  func.func @transform_5(%arg0: i32, %arg1: i32, %arg2: memref<16xi32, #tpu.memory_space<smem>>) -> (i32, i32) {
    %c0_i32 = arith.constant 0 : i32
    %c0_i32_0 = arith.constant 0 : i32
    %c0_i32_1 = arith.constant 0 : i32
    return %c0_i32, %c0_i32_0 : i32, i32
  }
}

</mosaic_0001>

<sc_bundles>
// kernel: kernel.6.cloned.1.call-start
scs
__scs_entry_jumppad:
0x0: {  	(pc) =	sbr.rel $0x88, $3  }
0x1: {  	(tag) =	ssettag $0x0;
	lr =	simm.s32 $0x1  }
0x2: {  	[smem:$0x3F9A] =	sst lr;
	_ =	strace $0xD0000000  }
0x3: {  	_ = 	snop  }
0x4: {  	_ = 	snop  }
0x5: {  	_ = 	snop  }
0x6: {  	_ = 	snop  }
0x7: {  	_ = 	snop  }
__scs_overlays_trampoline_lowered:
0x8: {  	[smem:$0x3FA9] =	sst s0  }
0x9: {  	[smem:$0x3FAA] =	sst s1  }
0xa: {  	[smem:$0x3FAB] =	sst s2  }
0xb: {  	[smem:$0x3FAC] =	sst s3  }
0xc: {  	[smem:$0x3FAD] =	sst s4  }
0xd: {  	[smem:$0x3FAE] =	sst s5  }
0xe: {  	[smem:$0x3FAF] =	sst s6  }
0xf: {  	[smem:$0x3FB0] =	sst s7  }
0x10: {  	[smem:$0x3FB1] =	sst s8  }
0x11: {  	[smem:$0x3FB2] =	sst s9;
	s0 =	simm.s32 @!p0 $0x0  }
0x12: {  	s1 =	sld [smem:$0x3F98];
	s0 =	simm.s32 @p0 $0x1  }
0x13: {  	[smem:$0x3FB3] =	sst s0;
	s0 =	simm.s32 @!p1 $0x0  }
0x14: {  	s2 =	sld [smem:$0x3F97];
	s0 =	simm.s32 @p1 $0x1  }
0x15: {  	[smem:$0x3FB4] =	sst s0;
	s0 =	simm.s32 @!p2 $0x0  }
0x16: {  	s3 =	sld [smem:$0x3FDB];
	s0 =	simm.s32 @p2 $0x1  }
0x17: {  	s4 =	simm.s32 $0x1BF5;
	[smem:$0x3FB6] =	sst s0  }
0x18: {  	s0 =	sld [smem:$0x3F99];
	_ =	swait.ge [sflag:s4], $0x0  }
0x19: {  	s7 =	sld [smem:$0x3F9A]  }
0x1a: {  	s8 =	sadd.s32 $0xFFFFE003, lr  }
0x1b: {  	s9 =	sadd.s32 $0xFFFFFEF7, lr;
	s5 =	simm.s32 $0xFFFFFFFF;
	p2 =	slt.u32 s8, $0xFFFFF086  }
0x1c: {  	p1 =	slt.u32 s9, $0xF7A;
	s5 =	simm.s32 @!p2 $0x0  }
0x1d: {  	s5 =	simm.s32 @p1 $0x1;
	p0 =	seq.s32 s7, s2  }
0x1e: {  	s7 =	smul.u32 @!p0 $0xF7A, s2;
	p2 =	seq.s32 @!p0 s5, $0x0  }
0x1f: {  	s9 =	smul.u32 $0xF7A, s1;
	s8 =	simm.s32 @!p0 $0x1BF5;
	p2 =	por !p2, p0  }
0x20: {  	[sflag:s8] =	ssyncset.s32 @!p0 $0xFFFFF086;
	s6 =	sadd.s32 @!p0 s3, s7;
	s7 =	simm.s32 @!p0 $0x108  }
0x21: {  	s3 =	sadd.s32 s3, s9;
	s6 =	sadd.s32 @!p0 $0x88, s6;
	s7 =	simm.s32 @p2 $0x1082  }
0x22: {  	[simem:s7], [sflag:s8] =	dma.local @!p0 [hbm:s6], $0xF7A  }
0x23: {  	s9 =	sor.u32 $0xD0000000, s2;
	s6 =	simm.s32 $0x108;
	_ =	swait.ge @!p0 [sflag:s8], $0x0  }
0x24: {  	s3 =	sadd.s32 $0x88, s3;
	s6 =	simm.s32 @!p1 $0x1082;
	[sflag:s4] =	ssyncset.s32 $0xFFFFF086  }
0x25: {  	[simem:s6], [sflag:s4] =	dma.local [hbm:s3], $0xF7A  }
0x26: {  	[smem:$0x3F9A] =	sst s1;
	(tag) =	ssettag s2;
	_ =	strace s9  }
0x27: {  	s1 =	sld [smem:$0x3FAA]  }
0x28: {  	s2 =	sld [smem:$0x3FAB]  }
0x29: {  	s4 =	sld [smem:$0x3FAD]  }
0x2a: {  	p0 =	seq.s32 s5, $0x0;
	s5 =	sld [smem:$0x3FAE]  }
0x2b: {  	s6 =	sld [smem:$0x3FAF]  }
0x2c: {  	s7 =	sld [smem:$0x3FB0]  }
0x2d: {  	s3 =	simm.s32 $0x108;
	s8 =	sld [smem:$0x3FB1]  }
0x2e: {  	s3 =	simm.s32 @!p0 $0x1082;
	s9 =	sld [smem:$0x3FB2]  }
0x2f: {  	lr =	sadd.s32 s0, s3;
	s0 =	sld [smem:$0x3FA9]  }
0x30: {  	s3 =	sld [smem:$0x3FAC]  }
0x31: {  	[smem:$0x3FB5] =	sst s10  }
0x32: {  	s10 =	sld [smem:$0x3FB3];
	_ =	sdelay $0x3  }
0x33: {  	p0 =	seq.s32 s10, $0x1;
	s10 =	sld [smem:$0x3FB5];
	_ =	sdelay $0x3  }
0x34: {  	[smem:$0x3FB5] =	sst s10  }
0x35: {  	s10 =	sld [smem:$0x3FB4];
	_ =	sdelay $0x3  }
0x36: {  	p1 =	seq.s32 s10, $0x1;
	s10 =	sld [smem:$0x3FB5];
	_ =	sdelay $0x3  }
0x37: {  	[smem:$0x3FB5] =	sst s10  }
0x38: {  	s10 =	sld [smem:$0x3FB6]  }
0x39: {  	_ = 	snop;
	(pc) =	sbr.ind lr, $3  }
0x3a: {  	_ = 	snop  }
0x3b: {  	_ = 	snop  }
0x3c: {  	p2 =	seq.s32 s10, $0x1;
	s10 =	sld [smem:$0x3FB5]  }
0x3d: {  	_ =	shalt  }
0x3e: {  	_ =	shalt  }
0x3f: {  	_ =	shalt  }
0x40: {  	_ =	shalt  }
0x41: {  	_ =	shalt  }
0x42: {  	_ =	shalt  }
0x43: {  	_ =	shalt  }
0x44: {  	_ =	shalt  }
0x45: {  	_ =	shalt  }
0x46: {  	_ =	shalt  }
0x47: {  	_ =	shalt  }
0x48: {  	_ =	shalt  }
0x49: {  	_ =	shalt  }
0x4a: {  	_ =	shalt  }
0x4b: {  	_ =	shalt  }
0x4c: {  	_ =	shalt  }
0x4d: {  	_ =	shalt  }
0x4e: {  	_ =	shalt  }
0x4f: {  	_ =	shalt  }
0x50: {  	_ =	shalt  }
0x51: {  	_ =	shalt  }
0x52: {  	_ =	shalt  }
0x53: {  	_ =	shalt  }
0x54: {  	_ =	shalt  }
0x55: {  	_ =	shalt  }
0x56: {  	_ =	shalt  }
0x57: {  	_ =	shalt  }
0x58: {  	_ =	shalt  }
0x59: {  	_ =	shalt  }
0x5a: {  	_ =	shalt  }
0x5b: {  	_ =	shalt  }
0x5c: {  	_ =	shalt  }
0x5d: {  	_ =	shalt  }
0x5e: {  	_ =	shalt  }
0x5f: {  	_ =	shalt  }
0x60: {  	_ =	shalt  }
0x61: {  	_ =	shalt  }
0x62: {  	_ =	shalt  }
0x63: {  	_ =	shalt  }
0x64: {  	_ =	shalt  }
0x65: {  	_ =	shalt  }
0x66: {  	_ =	shalt  }
0x67: {  	_ =	shalt  }
0x68: {  	_ =	shalt  }
0x69: {  	_ =	shalt  }
0x6a: {  	_ =	shalt  }
0x6b: {  	_ =	shalt  }
0x6c: {  	_ =	shalt  }
0x6d: {  	_ =	shalt  }
0x6e: {  	_ =	shalt  }
0x6f: {  	_ =	shalt  }
0x70: {  	_ =	shalt  }
0x71: {  	_ =	shalt  }
0x72: {  	_ =	shalt  }
0x73: {  	_ =	shalt  }
0x74: {  	_ =	shalt  }
0x75: {  	_ =	shalt  }
0x76: {  	_ =	shalt  }
0x77: {  	_ =	shalt  }
0x78: {  	_ =	shalt  }
0x79: {  	_ =	shalt  }
0x7a: {  	_ =	shalt  }
0x7b: {  	_ =	shalt  }
0x7c: {  	_ =	shalt  }
0x7d: {  	_ =	shalt  }
0x7e: {  	_ =	shalt  }
0x7f: {  	_ =	shalt  }
0x80: {  	_ =	shalt  }
0x81: {  	_ =	shalt  }
0x82: {  	_ =	shalt  }
0x83: {  	_ =	shalt  }
0x84: {  	_ =	shalt  }
0x85: {  	_ =	shalt  }
0x86: {  	_ =	shalt  }
0x87: {  	_ =	shalt  }
.Lfunc_end0:
.L_simem_size_0:
called_computation_lowered:
.L_overlay_start_0:
0x88: {  	s2 =	sld [smem:$0x3FD9]  }
0x89: {  	s3 =	sld [smem:$0x3FFE];
	_ =	sdelay $0x1  }
0x8a: {  	s1 =	srdreg.scid  }
0x8b: {  	s0 =	sand.u32 $0x1, s1  }
0x8c: {  	s17 =	sshll.u32 s0, $0xA;
	s2 =	sadd.s32 s3, s2  }
0x8d: {  	s2 =	sadd.s32 s2, s17  }
0x8e: {  	[smem:$0x3FC1] =	sst s2  }
0x8f: {  	_ = 	snop  }
0x90: {  	s2 =	sld [smem:$0x3FC9];
	(tm) =	ssettm $0x1  }
0x91: {  	s18 =	sld [smem:$0x3FFB];
	_ =	sdelay $0x3  }
0x92: {  	_ =	strace s18  }
0x93: {  	s3 =	sld [smem:$0x3FFC];
	_ =	sdelay $0x3  }
0x94: {  	_ =	strace s3  }
0x95: {  	s3 =	sld [smem:$0x3FFD];
	_ =	sdelay $0x3  }
0x96: {  	_ =	strace s3  }
0x97: {  	_ =	strace $0x8FFFFFFF  }
0x98: {  	s19 =	sld [smem:$0x3FDB];
	_ =	sdelay $0x1  }
0x99: {  	s4 =	simm.s32 $_scs_section_size  }
0x9a: {  	s5 =	simm.s32 $_size__tile_overlayer_lowered;
	s6 =	simm.s32 $_tile_overlayer_lowered  }
0x9b: {  	s22 =	simm.s32 $0x1BFF;
	s21 =	sshll.u32 s6, $0x1;
	s3 =	sadd.s32 s4, s19  }
0x9c: {  	s7 =	simm.s32 $0x0;
	s20 =	sshll.u32 s5, $0x1;
	s5 =	sadd.s32 s21, s3  }
0x9d: {  	[timem:s7], [sflag:s22] =	dma.local [hbm:s5], s20  }
0x9e: {  	_ =	swait.ge [sflag:s22], s20  }
0x9f: {  	s4 =	ssub.s32 $0x0, s20;
	[sflag:s22] =	ssyncset.done $0x0  }
0xa0: {  	[sflag:s22] =	ssyncadd.s32 s4;
	_ =	sdelay $0x1  }
0xa1: {  	s23 =	simm.s32 $0x1B8B  }
0xa2: {  	_ =	swait.ge [sflag:s23], $0x1  }
0xa3: {  	[sflag:s23] =	ssyncset.done $0x0  }
0xa4: {  	s25 =	simm.s32 $0x1B8E;
	s24 =	sld [smem:$0x3FFE];
	[sflag:s23] =	ssyncadd.s32 $0xFFFFFFFF  }
0xa5: {  	s26 =	simm.s32 $execute0_lowered;
	[smem:$0x3FD2] =	sst s25  }
0xa6: {  	s5 =	sshll.u32 s26, $0x1;
	_ =	strace $0x80000046;
	[dreg:$0x1] =	wrdreg $0xFFFFFFFF  }
0xa7: {  	s28 =	simm.s32 $_size_execute0_lowered;
	s3 =	sadd.s32 s3, s5;
	[dreg:$0x0] =	wrdreg $0x0  }
0xa8: {  	s5 =	sshll.u32 s28, $0x1;
	[dreg:$0x2] =	wrdreg s3  }
0xa9: {  	[dreg:$0x3] =	wrdreg s5  }
0xaa: {  	[dreg:$0x4] =	wrdreg $0xC0  }
0xab: {  	_ =	task [dreg:s7], $0x5FFFF  }
0xac: {  	[dreg:$0x1] =	wrdreg $0xFFFFFFFF  }
0xad: {  	[dreg:$0x0] =	wrdreg $0x60  }
0xae: {  	[dreg:$0x2] =	wrdreg s2  }
0xaf: {  	[dreg:$0x3] =	wrdreg s24  }
0xb0: {  	[dreg:$0x4] =	wrdreg $0x9  }
0xb1: {  	_ =	task.clear_ibuf [dreg:s7], $0x5FFFF;
	_ =	strace $0x90000046  }
0xb2: {  	s29 =	simm.s32 $0x9;
	_ =	strace $0x80000048  }
0xb3: {  	_ =	swait.ge [sflag:s29], $0x1  }
0xb4: {  	[sflag:s29] =	ssyncadd.s32 $0xFFFFFFFF  }
0xb5: {  	_ =	strace $0x90000048  }
0xb6: {  	_ =	sfence  }
0xb7: {  	s30 =	sld [smem:$0x0];
	_ =	sdelay $0x2  }
0xb8: {  	s31 =	sshll.u32 s1, $0xD;
	s1 =	sshrl.u32 s1, $0x2  }
0xb9: {  	s3 =	sand.u32 $0x4000, s31;
	s1 =	sadd.s32 s1, s30  }
0xba: {  	s0 =	sor.u32 s3, s0;
	s1 =	sshll.u32 s1, $0x11  }
0xbb: {  	s0 =	sor.u32 s1, s0  }
0xbc: {  	s0 =	sadd.s32 $0x8F2B, s0  }
0xbd: {  	[sflag:s0] =	ssyncadd.remote.s32 $0x1  }
0xbe: {  	_ =	sfence.sel $0xFFFF  }
0xbf: {  	[dreg:$0x0] =	wrdreg $0xFFFFFFFF;
	(pc) =	sbr.abs _section_cstart, $3  }
0xc0: {  	[dreg:$0x1] =	wrdreg $0xFFFFFFFF  }
0xc1: {  	_ =	task.clear_ibuf [dreg:s7], $0x2FFFF;
	_ =	strace $0x9FFFFFFF  }
0xc2: {  	(tm) =	ssettm $0x7FFFFFFF  }
0xc3: {  	_ =	shalt  }
tec
execute0_lowered:
.L_overlay_start_1:
0x0: {  	(tag) =	ssettag $0x1  }
0x1: {  	s1 =	srdreg.scid  }
0x2: {  	s3 =	rddreg [dreg:$0x0];
	s0 =	stileid.u32  }
0x3: {  	s5 =	rddreg [dreg:$0x1];
	s2 =	simm.s32 $0x0;
	s8 =	simm.s32 $0x80  }
0x4: {  	s26 =	simm.s32 $0x880;
	s9 =	simm.s32 $0x1080;
	s10 =	simm.s32 $0x1880  }
0x5: {  	s11 =	simm.s32 $0x2080;
	s12 =	simm.s32 $0x2880;
	s13 =	simm.s32 $0x3080  }
0x6: {  	s14 =	simm.s32 $0x3880;
	s15 =	simm.s32 $0x4080;
	s16 =	simm.s32 $0x4880  }
0x7: {  	s17 =	simm.s32 $0x5080;
	s18 =	simm.s32 $0x5880;
	s19 =	simm.s32 $0x6080  }
0x8: {  	s20 =	simm.s32 $0x6880;
	s21 =	simm.s32 $0x7080;
	s22 =	simm.s32 $0x7880  }
0x9: {  	s23 =	simm.s32 $0x8080;
	s24 =	simm.s32 $0x8880;
	s25 =	simm.s32 $0x9080  }
0xa: {  	s28 =	simm.s32 $0xA080;
	s29 =	simm.s32 $0xA880;
	s30 =	simm.s32 $0xB080  }
0xb: {  	s31 =	simm.s32 $0xB880;
	s1 =	sand.u32 $0x1, s1;
	[smem:$0x7FF] =	sst s2  }
0xc: {  	s4 =	sshll.u32 s0, $0x4;
	s6 =	sshll.u32 s1, $0x3;
	_ =	strace $0x80000047  }
0xd: {  	s1 =	ssub.s32 $0x2, s1;
	[dreg:$0x5] =	wrdreg s26;
	s4 =	sor.u32 s6, s4  }
0xe: {  	s7 =	sshrl.u32 s1, $0x1;
	s6 =	sadd.s32 s4, s5;
	s4 =	smul.u32 $0x300, s4  }
0xf: {  	s26 =	simm.s32 $0x9880;
	s1 =	ssub.s32 s1, s7;
	s6 =	sadd.s32 $0xA00, s6  }
0x10: {  	v2 =	vlaneseq.u32;
	s7 =	simm.s32 $0x2;
	[dreg:$0x3] =	wrdreg s6;
	s4 =	sadd.s32 s3, s4  }
0x11: {  	vm0 =	vmmov $0xffff;
	v1 =	vshrl.u32 v2, $0x3;
	s3 =	sadd.s32 $0xC00, s5;
	s6 =	smax.u32 s1, $0x1;
	s1 =	simm.s32 $0x1  }
0x12: {  	v0 =	vand.u32 $0x7, v2;
	v2 =	vor.u32 $0x8, v2;
	v1 =	vmul.u32 $0x8, v1;
	[dreg:$0x4] =	wrdreg s4;
	s4 =	sadd.s32 $0xD00, s5;
	s5 =	sadd.s32 $0xE00, s5  }
.LBB2_1:
0x13: {  	s0 =	rddreg [dreg:$0x3]  }
0x14: {  	[tilespmem:s2], [sflag:$0x2] =	stream.linear.gather [hbm4b:s0+s2], $0x40, $0x38;
	[tilespmem:$0xC080] =	vst v63  }
0x15: {  	_ =	swait.ge [sflag:s7], $0x40  }
0x16: {  	[sflag:s7] =	ssyncset.done $0x0  }
0x17: {  	s0 =	rddreg [dreg:$0x4];
	[sflag:s7] =	ssyncadd.s32 $0xFFFFFFC0  }
0x18: {  	[tilespmem:s8], [sflag:$0x2] =	stream.linear.gather [hbm4b:s0+s2], $0xC000, $0x38;
	[tilespmem:$0xC080] =	vst v63  }
0x19: {  	_ =	swait.ge [sflag:s7], $0xC000  }
0x1a: {  	[sflag:s7] =	ssyncset.done $0x0  }
0x1b: {  	[sflag:s7] =	ssyncadd.s32 $0xFFFF4000  }
0x1c: {  	v3 =	vld [tilespmem:$0x0];
	_ =	sdelay $0x4  }
0x1d: {  	v4 =	vshrl.u32 v3, $0x3  }
0x1e: {  	v4 =	vmul.u32 $0x30, v4  }
0x1f: {  	v3 =	vand.u32 $0x7, v3  }
0x20: {  	v3 =	vor.u32 v3, v4  }
0x21: {  	v4 =	vperm.xlane v3, v0;
	_ =	sdelay $0x1  }
0x22: {  	v4 =	vadd.s32 v1, v4;
	_ =	sdelay $0x3  }
0x23: {  	v3 =	vperm.xlane v3, v2  }
0x24: {  	[hbm4b:s3+s2] =	stream.indirect_vreg.scatter [tilespmem:s8], [sflag:$0x1], $0x80, v4, vm0, $0xb8;
	[tilespmem:$0xC080] =	vst v63  }
0x25: {  	s0 =	rddreg [dreg:$0x5];
	v3 =	vadd.s32 v1, v3  }
0x26: {  	[hbm4b:s4+s2] =	stream.indirect_vreg.scatter [tilespmem:s0], [sflag:$0x1], $0x80, v4, vm0, $0xb8;
	[tilespmem:$0xC080] =	vst v63  }
0x27: {  	_ = 	snop  }
0x28: {  	[hbm4b:s5+s2] =	stream.indirect_vreg.scatter [tilespmem:s9], [sflag:$0x1], $0x80, v4, vm0, $0xb8;
	[tilespmem:$0xC080] =	vst v63  }
0x29: {  	_ = 	snop  }
0x2a: {  	[hbm4b:s3+s2] =	stream.indirect_vreg.scatter [tilespmem:s10], [sflag:$0x1], $0x80, v3, vm0, $0xb8;
	[tilespmem:$0xC080] =	vst v63  }
0x2b: {  	_ = 	snop  }
0x2c: {  	[hbm4b:s4+s2] =	stream.indirect_vreg.scatter [tilespmem:s11], [sflag:$0x1], $0x80, v3, vm0, $0xb8;
	[tilespmem:$0xC080] =	vst v63  }
0x2d: {  	_ = 	snop  }
0x2e: {  	[hbm4b:s5+s2] =	stream.indirect_vreg.scatter [tilespmem:s12], [sflag:$0x1], $0x80, v3, vm0, $0xb8;
	[tilespmem:$0xC080] =	vst v63  }
0x2f: {  	v3 =	vld [tilespmem:$0x10];
	_ =	sdelay $0x4  }
0x30: {  	v61 =	vshrl.u32 v3, $0x3  }
0x31: {  	v4 =	vmul.u32 $0x30, v61  }
0x32: {  	v3 =	vand.u32 $0x7, v3  }
0x33: {  	v3 =	vor.u32 v3, v4  }
0x34: {  	v4 =	vperm.xlane v3, v0;
	_ =	sdelay $0x1  }
0x35: {  	v4 =	vadd.s32 v1, v4;
	_ =	sdelay $0x3  }
0x36: {  	v3 =	vperm.xlane v3, v2  }
0x37: {  	[hbm4b:s3+s2] =	stream.indirect_vreg.scatter [tilespmem:s13], [sflag:$0x1], $0x80, v4, vm0, $0xb8;
	[tilespmem:$0xC080] =	vst v63  }
0x38: {  	v3 =	vadd.s32 v1, v3  }
0x39: {  	[hbm4b:s4+s2] =	stream.indirect_vreg.scatter [tilespmem:s14], [sflag:$0x1], $0x80, v4, vm0, $0xb8;
	[tilespmem:$0xC080] =	vst v63  }
0x3a: {  	_ = 	snop  }
0x3b: {  	[hbm4b:s5+s2] =	stream.indirect_vreg.scatter [tilespmem:s15], [sflag:$0x1], $0x80, v4, vm0, $0xb8;
	[tilespmem:$0xC080] =	vst v63  }
0x3c: {  	_ = 	snop  }
0x3d: {  	[hbm4b:s3+s2] =	stream.indirect_vreg.scatter [tilespmem:s16], [sflag:$0x1], $0x80, v3, vm0, $0xb8;
	[tilespmem:$0xC080] =	vst v63  }
0x3e: {  	_ = 	snop  }
0x3f: {  	[hbm4b:s4+s2] =	stream.indirect_vreg.scatter [tilespmem:s17], [sflag:$0x1], $0x80, v3, vm0, $0xb8;
	[tilespmem:$0xC080] =	vst v63  }
0x40: {  	_ = 	snop  }
0x41: {  	[hbm4b:s5+s2] =	stream.indirect_vreg.scatter [tilespmem:s18], [sflag:$0x1], $0x80, v3, vm0, $0xb8;
	[tilespmem:$0xC080] =	vst v63  }
0x42: {  	v3 =	vld [tilespmem:$0x20];
	_ =	sdelay $0x4  }
0x43: {  	v62 =	vshrl.u32 v3, $0x3  }
0x44: {  	v4 =	vmul.u32 $0x30, v62  }
0x45: {  	v3 =	vand.u32 $0x7, v3  }
0x46: {  	v3 =	vor.u32 v3, v4  }
0x47: {  	v4 =	vperm.xlane v3, v0;
	_ =	sdelay $0x1  }
0x48: {  	v4 =	vadd.s32 v1, v4;
	_ =	sdelay $0x3  }
0x49: {  	v3 =	vperm.xlane v3, v2  }
0x4a: {  	[hbm4b:s3+s2] =	stream.indirect_vreg.scatter [tilespmem:s19], [sflag:$0x1], $0x80, v4, vm0, $0xb8;
	[tilespmem:$0xC080] =	vst v63  }
0x4b: {  	v3 =	vadd.s32 v1, v3  }
0x4c: {  	[hbm4b:s4+s2] =	stream.indirect_vreg.scatter [tilespmem:s20], [sflag:$0x1], $0x80, v4, vm0, $0xb8;
	[tilespmem:$0xC080] =	vst v63  }
0x4d: {  	_ = 	snop  }
0x4e: {  	[hbm4b:s5+s2] =	stream.indirect_vreg.scatter [tilespmem:s21], [sflag:$0x1], $0x80, v4, vm0, $0xb8;
	[tilespmem:$0xC080] =	vst v63  }
0x4f: {  	_ = 	snop  }
0x50: {  	[hbm4b:s3+s2] =	stream.indirect_vreg.scatter [tilespmem:s22], [sflag:$0x1], $0x80, v3, vm0, $0xb8;
	[tilespmem:$0xC080] =	vst v63  }
0x51: {  	_ = 	snop  }
0x52: {  	[hbm4b:s4+s2] =	stream.indirect_vreg.scatter [tilespmem:s23], [sflag:$0x1], $0x80, v3, vm0, $0xb8;
	[tilespmem:$0xC080] =	vst v63  }
0x53: {  	_ = 	snop  }
0x54: {  	[hbm4b:s5+s2] =	stream.indirect_vreg.scatter [tilespmem:s24], [sflag:$0x1], $0x80, v3, vm0, $0xb8;
	[tilespmem:$0xC080] =	vst v63  }
0x55: {  	v3 =	vld [tilespmem:$0x30];
	_ =	sdelay $0x4  }
0x56: {  	v63 =	vshrl.u32 v3, $0x3  }
0x57: {  	v4 =	vmul.u32 $0x30, v63  }
0x58: {  	v3 =	vand.u32 $0x7, v3  }
0x59: {  	v3 =	vor.u32 v3, v4  }
0x5a: {  	v4 =	vperm.xlane v3, v0;
	_ =	sdelay $0x1  }
0x5b: {  	v4 =	vadd.s32 v1, v4;
	_ =	sdelay $0x3  }
0x5c: {  	v3 =	vperm.xlane v3, v2  }
0x5d: {  	[hbm4b:s3+s2] =	stream.indirect_vreg.scatter [tilespmem:s25], [sflag:$0x1], $0x80, v4, vm0, $0xb8;
	[tilespmem:$0xC080] =	vst v63  }
0x5e: {  	v3 =	vadd.s32 v1, v3  }
0x5f: {  	[hbm4b:s4+s2] =	stream.indirect_vreg.scatter [tilespmem:s26], [sflag:$0x1], $0x80, v4, vm0, $0xb8;
	[tilespmem:$0xC080] =	vst v63  }
0x60: {  	_ = 	snop  }
0x61: {  	[hbm4b:s5+s2] =	stream.indirect_vreg.scatter [tilespmem:s28], [sflag:$0x1], $0x80, v4, vm0, $0xb8;
	[tilespmem:$0xC080] =	vst v63  }
0x62: {  	_ = 	snop  }
0x63: {  	[hbm4b:s3+s2] =	stream.indirect_vreg.scatter [tilespmem:s29], [sflag:$0x1], $0x80, v3, vm0, $0xb8;
	[tilespmem:$0xC080] =	vst v63  }
0x64: {  	p0 =	sne.s32 s6, $0x1  }
0x65: {  	[hbm4b:s4+s2] =	stream.indirect_vreg.scatter [tilespmem:s30], [sflag:$0x1], $0x80, v3, vm0, $0xb8;
	[tilespmem:$0xC080] =	vst v63  }
.Ltmp0:
0x66: {  	_ = 	snop;
	(pc) =	sbr.rel @p0 .LBB2_1-.Ltmp0, $4  }
0x67: {  	[hbm4b:s5+s2] =	stream.indirect_vreg.scatter [tilespmem:s31], [sflag:$0x1], $0x80, v3, vm0, $0xb8;
	[tilespmem:$0xC080] =	vst v63  }
0x68: {  	_ =	swait.ge [sflag:s1], $0xC000  }
0x69: {  	[sflag:s1] =	ssyncset.done $0x0  }
0x6a: {  	s6 =	sadd.s32 $0xFFFFFFFF, s6;
	[sflag:s1] =	ssyncadd.s32 $0xFFFF4000  }
0x6b: {  	_ =	sfence.sel $0x180000  }
0x6c: {  	[bflag:$0x0] =	sbarrier.arrive $0xFFFF  }
0x6d: {  	_ =	strace $0x90000047  }
0x6e: {  	s0 =	stileid.u32;
	[bflag:$0x2] =	sbarrier.arrive $0xFFFF  }
0x6f: {  	p0 =	sne.s32 s0, $0x0;
	s0 =	rddreg [dreg:$0x2]  }
0x70: {  	s0 =	sadd.s32 @!p0 $0x100000, s0  }
0x71: {  	[sflag:s0] =	ssyncadd.tile.s32 @!p0 $0x1;
	_ =	shalt  }
.Lfunc_end2:
_tile_overlayer_lowered:
.L_overlay_start_2:
0x72: {  	(tag) =	ssettag $0x2  }
0x73: {  	s0 =	rddreg [dreg:$0x0];
	s2 =	stileid.u32  }
0x74: {  	s1 =	rddreg [dreg:$0x1];
	p0 =	sne.s32 s2, $0x0  }
0x75: {  	s3 =	rddreg [dreg:$0x2];
	[bflag:$0x3] =	sbarrier.arrive $0xFFFF;
	s2 =	simm.s32 @!p0 $0x1C02  }
0x76: {  	[timem:s3], [sflag:s2] =	dma.local @!p0 [hbm:s0], s1  }
0x77: {  	s0 =	simm.s32 @!p0 $0x2  }
0x78: {  	_ =	swait.ge @!p0 [sflag:s0], s1  }
0x79: {  	s1 =	ssub.s32 @!p0 $0x0, s1;
	[sflag:s0] =	ssyncset.done @!p0 $0x0  }
0x7a: {  	[sflag:s0] =	ssyncadd.s32 @!p0 s1  }
0x7b: {  	[bflag:$0x3] =	sbarrier.arrive $0xFFFF  }
0x7c: {  	_ =	shalt  }

// kernel: kernel.9.cloned.1.call-start
scs
__scs_entry_jumppad:
0x0: {  	(pc) =	sbr.rel $0x88, $3  }
0x1: {  	(tag) =	ssettag $0x0;
	lr =	simm.s32 $0x1  }
0x2: {  	[smem:$0x3F9A] =	sst lr;
	_ =	strace $0xD0000000  }
0x3: {  	_ = 	snop  }
0x4: {  	_ = 	snop  }
0x5: {  	_ = 	snop  }
0x6: {  	_ = 	snop  }
0x7: {  	_ = 	snop  }
__scs_overlays_trampoline_lowered:
0x8: {  	[smem:$0x3FA9] =	sst s0  }
0x9: {  	[smem:$0x3FAA] =	sst s1  }
0xa: {  	[smem:$0x3FAB] =	sst s2  }
0xb: {  	[smem:$0x3FAC] =	sst s3  }
0xc: {  	[smem:$0x3FAD] =	sst s4  }
0xd: {  	[smem:$0x3FAE] =	sst s5  }
0xe: {  	[smem:$0x3FAF] =	sst s6  }
0xf: {  	[smem:$0x3FB0] =	sst s7  }
0x10: {  	[smem:$0x3FB1] =	sst s8  }
0x11: {  	[smem:$0x3FB2] =	sst s9;
	s0 =	simm.s32 @!p0 $0x0  }
0x12: {  	s1 =	sld [smem:$0x3F98];
	s0 =	simm.s32 @p0 $0x1  }
0x13: {  	[smem:$0x3FB3] =	sst s0;
	s0 =	simm.s32 @!p1 $0x0  }
0x14: {  	s2 =	sld [smem:$0x3F97];
	s0 =	simm.s32 @p1 $0x1  }
0x15: {  	[smem:$0x3FB4] =	sst s0;
	s0 =	simm.s32 @!p2 $0x0  }
0x16: {  	s3 =	sld [smem:$0x3FDB];
	s0 =	simm.s32 @p2 $0x1  }
0x17: {  	s4 =	simm.s32 $0x1BF5;
	[smem:$0x3FB6] =	sst s0  }
0x18: {  	s0 =	sld [smem:$0x3F99];
	_ =	swait.ge [sflag:s4], $0x0  }
0x19: {  	s7 =	sld [smem:$0x3F9A]  }
0x1a: {  	s8 =	sadd.s32 $0xFFFFE003, lr  }
0x1b: {  	s9 =	sadd.s32 $0xFFFFFEF7, lr;
	s5 =	simm.s32 $0xFFFFFFFF;
	p2 =	slt.u32 s8, $0xFFFFF086  }
0x1c: {  	p1 =	slt.u32 s9, $0xF7A;
	s5 =	simm.s32 @!p2 $0x0  }
0x1d: {  	s5 =	simm.s32 @p1 $0x1;
	p0 =	seq.s32 s7, s2  }
0x1e: {  	s7 =	smul.u32 @!p0 $0xF7A, s2;
	p2 =	seq.s32 @!p0 s5, $0x0  }
0x1f: {  	s9 =	smul.u32 $0xF7A, s1;
	s8 =	simm.s32 @!p0 $0x1BF5;
	p2 =	por !p2, p0  }
0x20: {  	[sflag:s8] =	ssyncset.s32 @!p0 $0xFFFFF086;
	s6 =	sadd.s32 @!p0 s3, s7;
	s7 =	simm.s32 @!p0 $0x108  }
0x21: {  	s3 =	sadd.s32 s3, s9;
	s6 =	sadd.s32 @!p0 $0x88, s6;
	s7 =	simm.s32 @p2 $0x1082  }
0x22: {  	[simem:s7], [sflag:s8] =	dma.local @!p0 [hbm:s6], $0xF7A  }
0x23: {  	s9 =	sor.u32 $0xD0000000, s2;
	s6 =	simm.s32 $0x108;
	_ =	swait.ge @!p0 [sflag:s8], $0x0  }
0x24: {  	s3 =	sadd.s32 $0x88, s3;
	s6 =	simm.s32 @!p1 $0x1082;
	[sflag:s4] =	ssyncset.s32 $0xFFFFF086  }
0x25: {  	[simem:s6], [sflag:s4] =	dma.local [hbm:s3], $0xF7A  }
0x26: {  	[smem:$0x3F9A] =	sst s1;
	(tag) =	ssettag s2;
	_ =	strace s9  }
0x27: {  	s1 =	sld [smem:$0x3FAA]  }
0x28: {  	s2 =	sld [smem:$0x3FAB]  }
0x29: {  	s4 =	sld [smem:$0x3FAD]  }
0x2a: {  	p0 =	seq.s32 s5, $0x0;
	s5 =	sld [smem:$0x3FAE]  }
0x2b: {  	s6 =	sld [smem:$0x3FAF]  }
0x2c: {  	s7 =	sld [smem:$0x3FB0]  }
0x2d: {  	s3 =	simm.s32 $0x108;
	s8 =	sld [smem:$0x3FB1]  }
0x2e: {  	s3 =	simm.s32 @!p0 $0x1082;
	s9 =	sld [smem:$0x3FB2]  }
0x2f: {  	lr =	sadd.s32 s0, s3;
	s0 =	sld [smem:$0x3FA9]  }
0x30: {  	s3 =	sld [smem:$0x3FAC]  }
0x31: {  	[smem:$0x3FB5] =	sst s10  }
0x32: {  	s10 =	sld [smem:$0x3FB3];
	_ =	sdelay $0x3  }
0x33: {  	p0 =	seq.s32 s10, $0x1;
	s10 =	sld [smem:$0x3FB5];
	_ =	sdelay $0x3  }
0x34: {  	[smem:$0x3FB5] =	sst s10  }
0x35: {  	s10 =	sld [smem:$0x3FB4];
	_ =	sdelay $0x3  }
0x36: {  	p1 =	seq.s32 s10, $0x1;
	s10 =	sld [smem:$0x3FB5];
	_ =	sdelay $0x3  }
0x37: {  	[smem:$0x3FB5] =	sst s10  }
0x38: {  	s10 =	sld [smem:$0x3FB6]  }
0x39: {  	_ = 	snop;
	(pc) =	sbr.ind lr, $3  }
0x3a: {  	_ = 	snop  }
0x3b: {  	_ = 	snop  }
0x3c: {  	p2 =	seq.s32 s10, $0x1;
	s10 =	sld [smem:$0x3FB5]  }
0x3d: {  	_ =	shalt  }
0x3e: {  	_ =	shalt  }
0x3f: {  	_ =	shalt  }
0x40: {  	_ =	shalt  }
0x41: {  	_ =	shalt  }
0x42: {  	_ =	shalt  }
0x43: {  	_ =	shalt  }
0x44: {  	_ =	shalt  }
0x45: {  	_ =	shalt  }
0x46: {  	_ =	shalt  }
0x47: {  	_ =	shalt  }
0x48: {  	_ =	shalt  }
0x49: {  	_ =	shalt  }
0x4a: {  	_ =	shalt  }
0x4b: {  	_ =	shalt  }
0x4c: {  	_ =	shalt  }
0x4d: {  	_ =	shalt  }
0x4e: {  	_ =	shalt  }
0x4f: {  	_ =	shalt  }
0x50: {  	_ =	shalt  }
0x51: {  	_ =	shalt  }
0x52: {  	_ =	shalt  }
0x53: {  	_ =	shalt  }
0x54: {  	_ =	shalt  }
0x55: {  	_ =	shalt  }
0x56: {  	_ =	shalt  }
0x57: {  	_ =	shalt  }
0x58: {  	_ =	shalt  }
0x59: {  	_ =	shalt  }
0x5a: {  	_ =	shalt  }
0x5b: {  	_ =	shalt  }
0x5c: {  	_ =	shalt  }
0x5d: {  	_ =	shalt  }
0x5e: {  	_ =	shalt  }
0x5f: {  	_ =	shalt  }
0x60: {  	_ =	shalt  }
0x61: {  	_ =	shalt  }
0x62: {  	_ =	shalt  }
0x63: {  	_ =	shalt  }
0x64: {  	_ =	shalt  }
0x65: {  	_ =	shalt  }
0x66: {  	_ =	shalt  }
0x67: {  	_ =	shalt  }
0x68: {  	_ =	shalt  }
0x69: {  	_ =	shalt  }
0x6a: {  	_ =	shalt  }
0x6b: {  	_ =	shalt  }
0x6c: {  	_ =	shalt  }
0x6d: {  	_ =	shalt  }
0x6e: {  	_ =	shalt  }
0x6f: {  	_ =	shalt  }
0x70: {  	_ =	shalt  }
0x71: {  	_ =	shalt  }
0x72: {  	_ =	shalt  }
0x73: {  	_ =	shalt  }
0x74: {  	_ =	shalt  }
0x75: {  	_ =	shalt  }
0x76: {  	_ =	shalt  }
0x77: {  	_ =	shalt  }
0x78: {  	_ =	shalt  }
0x79: {  	_ =	shalt  }
0x7a: {  	_ =	shalt  }
0x7b: {  	_ =	shalt  }
0x7c: {  	_ =	shalt  }
0x7d: {  	_ =	shalt  }
0x7e: {  	_ =	shalt  }
0x7f: {  	_ =	shalt  }
0x80: {  	_ =	shalt  }
0x81: {  	_ =	shalt  }
0x82: {  	_ =	shalt  }
0x83: {  	_ =	shalt  }
0x84: {  	_ =	shalt  }
0x85: {  	_ =	shalt  }
0x86: {  	_ =	shalt  }
0x87: {  	_ =	shalt  }
.Lfunc_end0:
.L_simem_size_0:
called_computation.1_lowered:
.L_overlay_start_0:
0x88: {  	s2 =	sld [smem:$0x3FD9]  }
0x89: {  	s3 =	sld [smem:$0x3FFE];
	_ =	sdelay $0x1  }
0x8a: {  	s1 =	srdreg.scid  }
0x8b: {  	s0 =	sand.u32 $0x1, s1  }
0x8c: {  	s17 =	sshll.u32 s0, $0xA;
	s2 =	sadd.s32 s3, s2  }
0x8d: {  	s2 =	sadd.s32 s2, s17  }
0x8e: {  	[smem:$0x3FC1] =	sst s2  }
0x8f: {  	_ = 	snop  }
0x90: {  	s2 =	sld [smem:$0x3FD0];
	(tm) =	ssettm $0x1  }
0x91: {  	s18 =	sld [smem:$0x3FFB];
	_ =	sdelay $0x3  }
0x92: {  	_ =	strace s18  }
0x93: {  	s3 =	sld [smem:$0x3FFC];
	_ =	sdelay $0x3  }
0x94: {  	_ =	strace s3  }
0x95: {  	s3 =	sld [smem:$0x3FFD];
	_ =	sdelay $0x3  }
0x96: {  	_ =	strace s3  }
0x97: {  	_ =	strace $0x8FFFFFFF  }
0x98: {  	s19 =	sld [smem:$0x3FDB];
	_ =	sdelay $0x1  }
0x99: {  	s4 =	simm.s32 $_scs_section_size  }
0x9a: {  	s5 =	simm.s32 $_size__tile_overlayer_lowered;
	s6 =	simm.s32 $_tile_overlayer_lowered  }
0x9b: {  	s22 =	simm.s32 $0x1BFF;
	s21 =	sshll.u32 s6, $0x1;
	s3 =	sadd.s32 s4, s19  }
0x9c: {  	s7 =	simm.s32 $0x0;
	s20 =	sshll.u32 s5, $0x1;
	s5 =	sadd.s32 s21, s3  }
0x9d: {  	[timem:s7], [sflag:s22] =	dma.local [hbm:s5], s20  }
0x9e: {  	_ =	swait.ge [sflag:s22], s20  }
0x9f: {  	s4 =	ssub.s32 $0x0, s20;
	[sflag:s22] =	ssyncset.done $0x0  }
0xa0: {  	[sflag:s22] =	ssyncadd.s32 s4;
	_ =	sdelay $0x1  }
0xa1: {  	s23 =	simm.s32 $0x1B8B  }
0xa2: {  	_ =	swait.ge [sflag:s23], $0x1  }
0xa3: {  	[sflag:s23] =	ssyncset.done $0x0  }
0xa4: {  	s25 =	simm.s32 $0x1B8E;
	s24 =	sld [smem:$0x3FFE];
	[sflag:s23] =	ssyncadd.s32 $0xFFFFFFFF  }
0xa5: {  	s26 =	simm.s32 $execute0_lowered;
	[smem:$0x3FD2] =	sst s25  }
0xa6: {  	s5 =	sshll.u32 s26, $0x1;
	_ =	strace $0x80000049;
	[dreg:$0x1] =	wrdreg $0xFFFFFFFF  }
0xa7: {  	s28 =	simm.s32 $_size_execute0_lowered;
	s3 =	sadd.s32 s3, s5;
	[dreg:$0x0] =	wrdreg $0x0  }
0xa8: {  	s5 =	sshll.u32 s28, $0x1;
	[dreg:$0x2] =	wrdreg s3  }
0xa9: {  	[dreg:$0x3] =	wrdreg s5  }
0xaa: {  	[dreg:$0x4] =	wrdreg $0xC0  }
0xab: {  	_ =	task [dreg:s7], $0x5FFFF  }
0xac: {  	[dreg:$0x1] =	wrdreg $0xFFFFFFFF  }
0xad: {  	[dreg:$0x0] =	wrdreg $0x60  }
0xae: {  	[dreg:$0x2] =	wrdreg s24  }
0xaf: {  	[dreg:$0x3] =	wrdreg s2  }
0xb0: {  	[dreg:$0x4] =	wrdreg $0x9  }
0xb1: {  	_ =	task.clear_ibuf [dreg:s7], $0x5FFFF;
	_ =	strace $0x90000049  }
0xb2: {  	s29 =	simm.s32 $0x9;
	_ =	strace $0x8000004B  }
0xb3: {  	_ =	swait.ge [sflag:s29], $0x1  }
0xb4: {  	[sflag:s29] =	ssyncadd.s32 $0xFFFFFFFF  }
0xb5: {  	_ =	strace $0x9000004B  }
0xb6: {  	_ =	sfence  }
0xb7: {  	s30 =	sld [smem:$0x0];
	_ =	sdelay $0x2  }
0xb8: {  	s31 =	sshll.u32 s1, $0xD;
	s1 =	sshrl.u32 s1, $0x2  }
0xb9: {  	s3 =	sand.u32 $0x4000, s31;
	s1 =	sadd.s32 s1, s30  }
0xba: {  	s0 =	sor.u32 s3, s0;
	s1 =	sshll.u32 s1, $0x11  }
0xbb: {  	s0 =	sor.u32 s1, s0  }
0xbc: {  	s0 =	sadd.s32 $0x8F2B, s0  }
0xbd: {  	[sflag:s0] =	ssyncadd.remote.s32 $0x1  }
0xbe: {  	_ =	sfence.sel $0xFFFF  }
0xbf: {  	[dreg:$0x0] =	wrdreg $0xFFFFFFFF;
	(pc) =	sbr.abs _section_cstart, $3  }
0xc0: {  	[dreg:$0x1] =	wrdreg $0xFFFFFFFF  }
0xc1: {  	_ =	task.clear_ibuf [dreg:s7], $0x2FFFF;
	_ =	strace $0x9FFFFFFF  }
0xc2: {  	(tm) =	ssettm $0x7FFFFFFF  }
0xc3: {  	_ =	shalt  }
tec
execute0_lowered:
.L_overlay_start_1:
0x0: {  	(tag) =	ssettag $0x1  }
0x1: {  	s0 =	rddreg [dreg:$0x0]  }
0x2: {  	s5 =	rddreg [dreg:$0x1];
	s3 =	srdreg.scid  }
0x3: {  	s2 =	simm.s32 $0x0;
	s1 =	stileid.u32;
	s26 =	simm.s32 $0x880  }
0x4: {  	s10 =	simm.s32 $0x1880;
	s11 =	simm.s32 $0x2080;
	s12 =	simm.s32 $0x2880  }
0x5: {  	s13 =	simm.s32 $0x3080;
	s14 =	simm.s32 $0x3880;
	s15 =	simm.s32 $0x4080  }
0x6: {  	s16 =	simm.s32 $0x4880;
	s17 =	simm.s32 $0x5080;
	s18 =	simm.s32 $0x5880  }
0x7: {  	s19 =	simm.s32 $0x6080;
	s20 =	simm.s32 $0x6880;
	s21 =	simm.s32 $0x7080  }
0x8: {  	s22 =	simm.s32 $0x7880;
	s28 =	simm.s32 $0xA080;
	s29 =	simm.s32 $0xA880  }
0x9: {  	s30 =	simm.s32 $0xB080;
	s31 =	simm.s32 $0xB880;
	s3 =	sand.u32 $0x1, s3  }
0xa: {  	[smem:$0x7FF] =	sst s2;
	s4 =	sshll.u32 s1, $0x4;
	s6 =	sshll.u32 s3, $0x3  }
0xb: {  	_ =	strace $0x8000004A;
	s23 =	ssub.s32 $0x2, s3;
	s3 =	sadd.s32 $0xC00, s0  }
0xc: {  	[dreg:$0x5] =	wrdreg s26;
	s26 =	simm.s32 $0x9880;
	s4 =	sor.u32 s6, s4  }
0xd: {  	s8 =	sshrl.u32 s23, $0x1;
	s7 =	sadd.s32 s4, s0;
	s9 =	smul.u32 $0x300, s4  }
0xe: {  	s6 =	ssub.s32 s23, s8;
	s4 =	sadd.s32 $0xD00, s0;
	s8 =	simm.s32 $0x80  }
0xf: {  	s23 =	simm.s32 $0x8080;
	s24 =	sadd.s32 $0xA00, s7;
	s6 =	smax.u32 s6, $0x1  }
0x10: {  	v2 =	vlaneseq.u32;
	s7 =	simm.s32 $0x2;
	[dreg:$0x3] =	wrdreg s24;
	s25 =	sadd.s32 s5, s9  }
0x11: {  	vm0 =	vmmov $0xffff;
	v1 =	vshrl.u32 v2, $0x3;
	s5 =	sadd.s32 $0xE00, s0;
	s9 =	simm.s32 $0x1080;
	s24 =	simm.s32 $0x8880  }
0x12: {  	v0 =	vand.u32 $0x7, v2;
	v2 =	vor.u32 $0x8, v2;
	v1 =	vmul.u32 $0x8, v1;
	s0 =	simm.s32 $0x1;
	[dreg:$0x4] =	wrdreg s25;
	s25 =	simm.s32 $0x9080  }
.LBB2_1:
0x13: {  	s1 =	rddreg [dreg:$0x3]  }
0x14: {  	[tilespmem:s2], [sflag:$0x2] =	stream.linear.gather [hbm4b:s1+s2], $0x40, $0x38;
	[tilespmem:$0xC080] =	vst v63  }
0x15: {  	_ =	swait.ge [sflag:s7], $0x40  }
0x16: {  	[sflag:s7] =	ssyncset.done $0x0  }
0x17: {  	[sflag:s7] =	ssyncadd.s32 $0xFFFFFFC0  }
0x18: {  	v3 =	vld [tilespmem:$0x0];
	_ =	sdelay $0x4  }
0x19: {  	v4 =	vshrl.u32 v3, $0x3  }
0x1a: {  	v4 =	vmul.u32 $0x30, v4  }
0x1b: {  	v3 =	vand.u32 $0x7, v3  }
0x1c: {  	v3 =	vor.u32 v3, v4  }
0x1d: {  	v4 =	vperm.xlane v3, v0;
	_ =	sdelay $0x1  }
0x1e: {  	v4 =	vadd.s32 v1, v4;
	_ =	sdelay $0x3  }
0x1f: {  	v3 =	vperm.xlane v3, v2  }
0x20: {  	[tilespmem:s8], [sflag:$0x1] =	stream.indirect_vreg.gather [hbm4b:s3+s2], $0x80, v4, vm0, $0xb8;
	[tilespmem:$0xC080] =	vst v63  }
0x21: {  	s1 =	rddreg [dreg:$0x5];
	v3 =	vadd.s32 v1, v3  }
0x22: {  	[tilespmem:s1], [sflag:$0x1] =	stream.indirect_vreg.gather [hbm4b:s4+s2], $0x80, v4, vm0, $0xb8;
	[tilespmem:$0xC080] =	vst v63  }
0x23: {  	_ = 	snop  }
0x24: {  	[tilespmem:s9], [sflag:$0x1] =	stream.indirect_vreg.gather [hbm4b:s5+s2], $0x80, v4, vm0, $0xb8;
	[tilespmem:$0xC080] =	vst v63  }
0x25: {  	_ = 	snop  }
0x26: {  	[tilespmem:s10], [sflag:$0x1] =	stream.indirect_vreg.gather [hbm4b:s3+s2], $0x80, v3, vm0, $0xb8;
	[tilespmem:$0xC080] =	vst v63  }
0x27: {  	_ = 	snop  }
0x28: {  	[tilespmem:s11], [sflag:$0x1] =	stream.indirect_vreg.gather [hbm4b:s4+s2], $0x80, v3, vm0, $0xb8;
	[tilespmem:$0xC080] =	vst v63  }
0x29: {  	_ = 	snop  }
0x2a: {  	[tilespmem:s12], [sflag:$0x1] =	stream.indirect_vreg.gather [hbm4b:s5+s2], $0x80, v3, vm0, $0xb8;
	[tilespmem:$0xC080] =	vst v63  }
0x2b: {  	v3 =	vld [tilespmem:$0x10];
	_ =	sdelay $0x4  }
0x2c: {  	v61 =	vshrl.u32 v3, $0x3  }
0x2d: {  	v4 =	vmul.u32 $0x30, v61  }
0x2e: {  	v3 =	vand.u32 $0x7, v3  }
0x2f: {  	v3 =	vor.u32 v3, v4  }
0x30: {  	v4 =	vperm.xlane v3, v0;
	_ =	sdelay $0x1  }
0x31: {  	v4 =	vadd.s32 v1, v4;
	_ =	sdelay $0x3  }
0x32: {  	v3 =	vperm.xlane v3, v2  }
0x33: {  	[tilespmem:s13], [sflag:$0x1] =	stream.indirect_vreg.gather [hbm4b:s3+s2], $0x80, v4, vm0, $0xb8;
	[tilespmem:$0xC080] =	vst v63  }
0x34: {  	v3 =	vadd.s32 v1, v3  }
0x35: {  	[tilespmem:s14], [sflag:$0x1] =	stream.indirect_vreg.gather [hbm4b:s4+s2], $0x80, v4, vm0, $0xb8;
	[tilespmem:$0xC080] =	vst v63  }
0x36: {  	_ = 	snop  }
0x37: {  	[tilespmem:s15], [sflag:$0x1] =	stream.indirect_vreg.gather [hbm4b:s5+s2], $0x80, v4, vm0, $0xb8;
	[tilespmem:$0xC080] =	vst v63  }
0x38: {  	_ = 	snop  }
0x39: {  	[tilespmem:s16], [sflag:$0x1] =	stream.indirect_vreg.gather [hbm4b:s3+s2], $0x80, v3, vm0, $0xb8;
	[tilespmem:$0xC080] =	vst v63  }
0x3a: {  	_ = 	snop  }
0x3b: {  	[tilespmem:s17], [sflag:$0x1] =	stream.indirect_vreg.gather [hbm4b:s4+s2], $0x80, v3, vm0, $0xb8;
	[tilespmem:$0xC080] =	vst v63  }
0x3c: {  	_ = 	snop  }
0x3d: {  	[tilespmem:s18], [sflag:$0x1] =	stream.indirect_vreg.gather [hbm4b:s5+s2], $0x80, v3, vm0, $0xb8;
	[tilespmem:$0xC080] =	vst v63  }
0x3e: {  	v3 =	vld [tilespmem:$0x20];
	_ =	sdelay $0x4  }
0x3f: {  	v62 =	vshrl.u32 v3, $0x3  }
0x40: {  	v4 =	vmul.u32 $0x30, v62  }
0x41: {  	v3 =	vand.u32 $0x7, v3  }
0x42: {  	v3 =	vor.u32 v3, v4  }
0x43: {  	v4 =	vperm.xlane v3, v0;
	_ =	sdelay $0x1  }
0x44: {  	v4 =	vadd.s32 v1, v4;
	_ =	sdelay $0x3  }
0x45: {  	v3 =	vperm.xlane v3, v2  }
0x46: {  	[tilespmem:s19], [sflag:$0x1] =	stream.indirect_vreg.gather [hbm4b:s3+s2], $0x80, v4, vm0, $0xb8;
	[tilespmem:$0xC080] =	vst v63  }
0x47: {  	v3 =	vadd.s32 v1, v3  }
0x48: {  	[tilespmem:s20], [sflag:$0x1] =	stream.indirect_vreg.gather [hbm4b:s4+s2], $0x80, v4, vm0, $0xb8;
	[tilespmem:$0xC080] =	vst v63  }
0x49: {  	_ = 	snop  }
0x4a: {  	[tilespmem:s21], [sflag:$0x1] =	stream.indirect_vreg.gather [hbm4b:s5+s2], $0x80, v4, vm0, $0xb8;
	[tilespmem:$0xC080] =	vst v63  }
0x4b: {  	_ = 	snop  }
0x4c: {  	[tilespmem:s22], [sflag:$0x1] =	stream.indirect_vreg.gather [hbm4b:s3+s2], $0x80, v3, vm0, $0xb8;
	[tilespmem:$0xC080] =	vst v63  }
0x4d: {  	_ = 	snop  }
0x4e: {  	[tilespmem:s23], [sflag:$0x1] =	stream.indirect_vreg.gather [hbm4b:s4+s2], $0x80, v3, vm0, $0xb8;
	[tilespmem:$0xC080] =	vst v63  }
0x4f: {  	_ = 	snop  }
0x50: {  	[tilespmem:s24], [sflag:$0x1] =	stream.indirect_vreg.gather [hbm4b:s5+s2], $0x80, v3, vm0, $0xb8;
	[tilespmem:$0xC080] =	vst v63  }
0x51: {  	v3 =	vld [tilespmem:$0x30];
	_ =	sdelay $0x4  }
0x52: {  	v63 =	vshrl.u32 v3, $0x3  }
0x53: {  	v4 =	vmul.u32 $0x30, v63  }
0x54: {  	v3 =	vand.u32 $0x7, v3  }
0x55: {  	v3 =	vor.u32 v3, v4  }
0x56: {  	v4 =	vperm.xlane v3, v0;
	_ =	sdelay $0x1  }
0x57: {  	v4 =	vadd.s32 v1, v4;
	_ =	sdelay $0x3  }
0x58: {  	v3 =	vperm.xlane v3, v2  }
0x59: {  	[tilespmem:s25], [sflag:$0x1] =	stream.indirect_vreg.gather [hbm4b:s3+s2], $0x80, v4, vm0, $0xb8;
	[tilespmem:$0xC080] =	vst v63  }
0x5a: {  	v3 =	vadd.s32 v1, v3  }
0x5b: {  	[tilespmem:s26], [sflag:$0x1] =	stream.indirect_vreg.gather [hbm4b:s4+s2], $0x80, v4, vm0, $0xb8;
	[tilespmem:$0xC080] =	vst v63  }
0x5c: {  	_ = 	snop  }
0x5d: {  	[tilespmem:s28], [sflag:$0x1] =	stream.indirect_vreg.gather [hbm4b:s5+s2], $0x80, v4, vm0, $0xb8;
	[tilespmem:$0xC080] =	vst v63  }
0x5e: {  	_ = 	snop  }
0x5f: {  	[tilespmem:s29], [sflag:$0x1] =	stream.indirect_vreg.gather [hbm4b:s3+s2], $0x80, v3, vm0, $0xb8;
	[tilespmem:$0xC080] =	vst v63  }
0x60: {  	_ = 	snop  }
0x61: {  	[tilespmem:s30], [sflag:$0x1] =	stream.indirect_vreg.gather [hbm4b:s4+s2], $0x80, v3, vm0, $0xb8;
	[tilespmem:$0xC080] =	vst v63  }
0x62: {  	_ = 	snop  }
0x63: {  	[tilespmem:s31], [sflag:$0x1] =	stream.indirect_vreg.gather [hbm4b:s5+s2], $0x80, v3, vm0, $0xb8;
	[tilespmem:$0xC080] =	vst v63  }
0x64: {  	_ =	swait.ge [sflag:s0], $0xC000  }
0x65: {  	p0 =	sne.s32 s6, $0x1;
	[sflag:s0] =	ssyncset.done $0x0  }
.Ltmp0:
0x66: {  	s1 =	rddreg [dreg:$0x4];
	[sflag:s0] =	ssyncadd.s32 $0xFFFF4000;
	(pc) =	sbr.rel @p0 .LBB2_1-.Ltmp0, $4  }
0x67: {  	[hbm4b:s1+s2] =	stream.linear.scatter [tilespmem:s8], [sflag:$0x2], $0xC000, $0x38;
	[tilespmem:$0xC080] =	vst v63  }
0x68: {  	_ =	swait.ge [sflag:s7], $0xC000  }
0x69: {  	[sflag:s7] =	ssyncset.done $0x0  }
0x6a: {  	s6 =	sadd.s32 $0xFFFFFFFF, s6;
	[sflag:s7] =	ssyncadd.s32 $0xFFFF4000  }
0x6b: {  	_ =	sfence.sel $0x180000  }
0x6c: {  	[bflag:$0x0] =	sbarrier.arrive $0xFFFF  }
0x6d: {  	_ =	strace $0x9000004A  }
0x6e: {  	s0 =	stileid.u32;
	[bflag:$0x2] =	sbarrier.arrive $0xFFFF  }
0x6f: {  	p0 =	sne.s32 s0, $0x0;
	s0 =	rddreg [dreg:$0x2]  }
0x70: {  	s0 =	sadd.s32 @!p0 $0x100000, s0  }
0x71: {  	[sflag:s0] =	ssyncadd.tile.s32 @!p0 $0x1;
	_ =	shalt  }
.Lfunc_end2:
_tile_overlayer_lowered:
.L_overlay_start_2:
0x72: {  	(tag) =	ssettag $0x2  }
0x73: {  	s0 =	rddreg [dreg:$0x0];
	s2 =	stileid.u32  }
0x74: {  	s1 =	rddreg [dreg:$0x1];
	p0 =	sne.s32 s2, $0x0  }
0x75: {  	s3 =	rddreg [dreg:$0x2];
	[bflag:$0x3] =	sbarrier.arrive $0xFFFF;
	s2 =	simm.s32 @!p0 $0x1C02  }
0x76: {  	[timem:s3], [sflag:s2] =	dma.local @!p0 [hbm:s0], s1  }
0x77: {  	s0 =	simm.s32 @!p0 $0x2  }
0x78: {  	_ =	swait.ge @!p0 [sflag:s0], s1  }
0x79: {  	s1 =	ssub.s32 @!p0 $0x0, s1;
	[sflag:s0] =	ssyncset.done @!p0 $0x0  }
0x7a: {  	[sflag:s0] =	ssyncadd.s32 @!p0 s1  }
0x7b: {  	[bflag:$0x3] =	sbarrier.arrive $0xFFFF  }
0x7c: {  	_ =	shalt  }

</sc_bundles>
